<compile_context>
chip_gen: v7x
topology: tpu7x:2x2x1
jax: 0.10.2.dev20260603
libtpu: 0.0.44.dev20260713+nightly
codegen_flags: <defaults>
</compile_context>

<pallas_src>
import functools

import jax
import jax.numpy as jnp
from jax import lax
from jax.experimental import pallas as pl
from jax.experimental.pallas import tpu as pltpu
from jax.experimental.pallas import tpu_sc as plsc

E = 8
D = 1024
K = 512
N = 2048
BETA = 0.25
BLK = 256
NBLK = N // BLK + E
NP = NBLK * BLK


def _sc_workers():
    try:
        info = plsc.get_sparse_core_info()
        return info.num_cores, info.num_subcores
    except Exception:
        return 2, 16


def _route_body(lab_ref, pos_ref, meta_ref):
    lab = lab_ref[...]
    r128 = lax.broadcasted_iota(jnp.int32, (128, 128), 0)
    c128 = lax.broadcasted_iota(jnp.int32, (128, 128), 1)
    tri128 = (r128 < c128).astype(jnp.float32)
    r16 = lax.broadcasted_iota(jnp.int32, (16, 16), 0)
    c16 = lax.broadcasted_iota(jnp.int32, (16, 16), 1)
    tri16 = (c16 < r16).astype(jnp.float32)

    masks, ranks, cnts = [], [], []
    for e in range(E):
        m = (lab == e).astype(jnp.float32)
        pref = lax.dot_general(m, tri128, (((1,), (0,)), ((), ())),
                               preferred_element_type=jnp.float32)
        s = jnp.sum(m, axis=1, keepdims=True)
        rowpref = lax.dot_general(tri16, s, (((1,), (0,)), ((), ())),
                                  preferred_element_type=jnp.float32)
        masks.append(m)
        ranks.append(pref + rowpref)
        cnts.append(jnp.sum(m).astype(jnp.int32))

    poffs, cumblocks = [], []
    acc = jnp.int32(0)
    for e in range(E):
        poffs.append(acc * BLK)
        acc = acc + (cnts[e] + (BLK - 1)) // BLK
        cumblocks.append(acc)

    pos = jnp.zeros((16, 128), jnp.float32)
    for e in range(E):
        pos = pos + masks[e] * (ranks[e] + poffs[e].astype(jnp.float32))
    pos_ref[...] = pos.astype(jnp.int32)

    li = lax.broadcasted_iota(jnp.int32, (E, 128), 1)
    bm = jnp.zeros((E, 128), jnp.int32)
    for e in range(E):
        bm = bm + (li >= cumblocks[e]).astype(jnp.int32)
    meta = jnp.where(li < NBLK, jnp.minimum(bm, E - 1), 0)
    for e in range(E):
        meta = meta + jnp.where(li == NBLK + e, cnts[e], 0)
        meta = meta + jnp.where(li == NBLK + E + e, poffs[e], 0)
    meta = meta + jnp.where(li == NBLK + 2 * E, cumblocks[E - 1], 0)
    meta_ref[...] = meta


def _route(lab2d):
    return pl.pallas_call(
        _route_body,
        out_shape=[
            jax.ShapeDtypeStruct((16, 128), jnp.int32),
            jax.ShapeDtypeStruct((E, 128), jnp.int32),
        ],
    )(lab2d)


def _dispatch(img, pos):
    nc, ns = _sc_workers()
    nw = nc * ns
    tpw = N // nw
    mesh = plsc.VectorSubcoreMesh(core_axis_name="c", subcore_axis_name="s")

    nch = 1
    ch = tpw // nch

    @functools.partial(
        pl.kernel, mesh=mesh,
        out_type=jax.ShapeDtypeStruct((NP, D), jnp.float32),
        scratch_types=[
            pltpu.VMEM((nch, ch), jnp.int32),
            pltpu.VMEM((nch, ch, D), jnp.float32),
            pltpu.SemaphoreType.DMA,
        ],
    )
    def body(img_hbm, pos_hbm, out_hbm, idx_v, rows_v, sem):
        wid = lax.axis_index("s") * nc + lax.axis_index("c")
        base = wid * tpw
        for c in range(nch):
            pltpu.sync_copy(pos_hbm.at[pl.ds(base + c * ch, ch)], idx_v.at[c])
        handles = []
        for c in range(nch):
            pltpu.sync_copy(img_hbm.at[pl.ds(base + c * ch, ch)], rows_v.at[c])
            handles.append(
                pltpu.async_copy(rows_v.at[c], out_hbm.at[idx_v.at[c]], sem))
        for h in handles:
            h.wait()

    return body(img, pos)


def _gather_rows(table, idx):
    nc, ns = _sc_workers()
    nw = nc * ns
    tpw = N // nw
    mesh = plsc.VectorSubcoreMesh(core_axis_name="c", subcore_axis_name="s")

    nch = 1
    ch = tpw // nch

    @functools.partial(
        pl.kernel, mesh=mesh,
        out_type=jax.ShapeDtypeStruct((N, D), jnp.float32),
        scratch_types=[
            pltpu.VMEM((nch, ch), jnp.int32),
            pltpu.VMEM((nch, ch, D), jnp.float32),
            pltpu.SemaphoreType.DMA,
        ],
    )
    def body(tab_hbm, idx_hbm, out_hbm, idx_v, rows_v, sem):
        wid = lax.axis_index("s") * nc + lax.axis_index("c")
        base = wid * tpw
        for c in range(nch):
            pltpu.sync_copy(idx_hbm.at[pl.ds(base + c * ch, ch)], idx_v.at[c])
        handles = [
            pltpu.async_copy(tab_hbm.at[idx_v.at[c]], rows_v.at[c], sem)
            for c in range(nch)
        ]
        for c in range(nch):
            handles[c].wait()
            pltpu.sync_copy(rows_v.at[c], out_hbm.at[pl.ds(base + c * ch, ch)])

    return body(table, idx)


def _main_body(m_ref, x_ref, w_ref, b_ref, cb_ref, wd_ref, bd_ref,
               dec_ref, loss_ref, sse_acc, s_acc, cbsq_ref):
    i = pl.program_id(0)
    total = m_ref[0, NBLK + 2 * E]

    @pl.when(i == 0)
    def _():
        sse_acc[0] = jnp.float32(0.0)
        for e in range(E):
            s_acc[e] = jnp.float32(0.0)
        cb0 = cb_ref[...]
        cbsq_ref[...] = jnp.sum(cb0 * cb0, axis=1)[None, :]

    @pl.when(i < total)
    def _():
        e = m_ref[0, i]
        x = x_ref[...]
        enc = lax.dot_general(x, w_ref[0], (((1,), (0,)), ((), ())),
                              preferred_element_type=jnp.float32)
        enc = enc + b_ref[pl.ds(e, 1), :]
        cb = cb_ref[...]
        xsq = jnp.sum(enc * enc, axis=1, keepdims=True)
        prod = lax.dot_general(enc, cb, (((1,), (1,)), ((), ())),
                               preferred_element_type=jnp.float32)
        d2 = xsq - 2.0 * prod + cbsq_ref[...]
        mv = jnp.min(d2, axis=1, keepdims=True)
        li = lax.broadcasted_iota(jnp.int32, (BLK, K), 1)
        idx = jnp.min(jnp.where(d2 <= mv, li, K), axis=1, keepdims=True)
        oh = (li == idx).astype(jnp.float32)
        quant = lax.dot_general(oh, cb, (((1,), (0,)), ((), ())),
                                preferred_element_type=jnp.float32)
        dec = lax.dot_general(quant, wd_ref[...], (((1,), (0,)), ((), ())),
                              preferred_element_type=jnp.float32) + bd_ref[...]
        dec_ref[...] = dec

        row = lax.broadcasted_iota(jnp.int32, (BLK, 1), 0)
        srow = i * BLK + row
        valid = (srow - m_ref[0, NBLK + E + e]) < m_ref[0, NBLK + e]
        diff = dec - x
        sse_row = jnp.sum(diff * diff, axis=1, keepdims=True)
        sse_acc[0] += jnp.sum(jnp.where(valid, sse_row, 0.0))
        qd = enc - quant
        qtok = jnp.sum(qd * qd, axis=1, keepdims=True)
        s_acc[e] += jnp.sum(jnp.where(valid, qtok, 0.0))

    @pl.when(i == NBLK - 1)
    def _():
        qloss = jnp.float32(0.0)
        for e in range(E):
            cnt = jnp.maximum(m_ref[0, NBLK + e].astype(jnp.float32) * D, 1.0)
            qloss += (1.0 + BETA) * s_acc[e] / cnt
        loss_ref[0] = sse_acc[0] / (N * D) + qloss / E


def _main(meta, simg, W_enc, b_enc, codebook, W_dec, b_dec2d):
    grid_spec = pltpu.PrefetchScalarGridSpec(
        num_scalar_prefetch=1,
        grid=(NBLK,),
        in_specs=[
            pl.BlockSpec((BLK, D),
                         lambda i, m: (jnp.minimum(i, m[0, NBLK + 2 * E] - 1), 0)),
            pl.BlockSpec((1, D, D), lambda i, m: (m[0, i], 0, 0)),
            pl.BlockSpec((E, D), lambda i, m: (0, 0)),
            pl.BlockSpec((K, D), lambda i, m: (0, 0)),
            pl.BlockSpec((D, D), lambda i, m: (0, 0)),
            pl.BlockSpec((1, D), lambda i, m: (0, 0)),
        ],
        out_specs=[
            pl.BlockSpec((BLK, D),
                         lambda i, m: (jnp.minimum(i, m[0, NBLK + 2 * E] - 1), 0)),
            pl.BlockSpec(memory_space=pltpu.SMEM),
        ],
        scratch_shapes=[
            pltpu.SMEM((1,), jnp.float32),
            pltpu.SMEM((E,), jnp.float32),
            pltpu.VMEM((1, K), jnp.float32),
        ],
    )
    return pl.pallas_call(
        _main_body,
        grid_spec=grid_spec,
        out_shape=[
            jax.ShapeDtypeStruct((NP, D), jnp.float32),
            jax.ShapeDtypeStruct((1,), jnp.float32),
        ],
    )(meta, simg, W_enc, b_enc, codebook, W_dec, b_dec2d)


def kernel(img, label, W_enc, b_enc, codebook, W_dec, b_dec):
    lab = label.astype(jnp.int32)
    pos2d, meta = _route(lab.reshape(16, 128))
    pos = pos2d.reshape(N)

    simg = _dispatch(img, pos)
    dec_sorted, loss = _main(meta, simg, W_enc, b_enc, codebook,
                             W_dec, b_dec.reshape(1, D))
    out = _gather_rows(dec_sorted, pos)
    return out, loss[0]

# --- scband reference (transcript-rebuilt; emitter-appended) ---
"""Pipeline reference for scband-model-34402688041398 (READ-ONLY COPY).

The authoritative reference and input builder live on the scoring server;
editing this copy changes nothing except your own understanding.
"""

import jax, jax.numpy as jnp
import numpy as np

E = 8
D = 1024
K = 512
BETA = 0.25
N = 2048


def setup_inputs(seed: int = 0) -> dict:
    key = jax.random.key(seed)
    ks = jax.random.split(key, 8)
    img = jax.random.normal(ks[0], (N, D), dtype=jnp.float32)
    label = jax.random.randint(ks[1], (N,), 0, E).astype(jnp.int64)
    W_enc = jax.random.normal(ks[2], (E, D, D), dtype=jnp.float32) * 0.02
    b_enc = jnp.zeros((E, D), dtype=jnp.float32)
    codebook = jax.random.normal(ks[3], (K, D), dtype=jnp.float32) * 0.02
    W_dec = jax.random.normal(ks[4], (D, D), dtype=jnp.float32) * 0.02
    b_dec = jnp.zeros((D,), dtype=jnp.float32)
    return {"img": img, "label": label, "W_enc": W_enc, "b_enc": b_enc,
            "codebook": codebook, "W_dec": W_dec, "b_dec": b_dec}


def reference(img, label, W_enc, b_enc, codebook, W_dec, b_dec):
    # Training path of the original Model.forward: tokens are hard-routed to
    # the expert encoder matching their label, VQ-quantized with a shared
    # codebook (straight-through), decoded by a shared decoder
    # (split_mode_model in [0,1]), and scattered back into output['img'].
    n, d = img.shape
    n_exp = W_enc.shape[0]
    sg = jax.lax.stop_gradient
    out = jnp.zeros_like(img)
    qloss = jnp.float32(0.0)
    cb_sq = jnp.sum(codebook ** 2, axis=1)[None, :]
    for i in range(n_exp):
        mask = (label == i).astype(img.dtype)  # [N]
        # expert encoder (gathered expert weights; label == hard top-1 route)
        enc = img @ W_enc[i] + b_enc[i]
        # VQ quantizer: nearest codebook entry per token
        d2 = jnp.sum(enc ** 2, axis=1, keepdims=True) - 2.0 * (enc @ codebook.T) + cb_sq
        idx = jnp.argmin(d2, axis=1)
        quant = jnp.take(codebook, idx, axis=0)
        cnt = jnp.maximum(jnp.sum(mask) * d, 1.0)
        e_latent = jnp.sum(mask[:, None] * (sg(enc) - quant) ** 2) / cnt
        e_commit = jnp.sum(mask[:, None] * (enc - sg(quant)) ** 2) / cnt
        qloss = qloss + e_latent + BETA * e_commit
        # straight-through estimator
        quant_st = enc + sg(quant - enc)
        # shared decoder
        dec = quant_st @ W_dec + b_dec
        # scatter decoded tokens back by mask (output['img'][mask[i]] = decoded_i)
        out = out + mask[:, None] * dec
    loss = jnp.mean((out - img) ** 2) + qloss / n_exp
    return out, loss

if __name__ == "__main__":
    import jax
    _d = setup_inputs()
    print(jax.jit(kernel)(*tuple(_d.values())))

</pallas_src>

<mosaic_0001>
#map = affine_map<(d0, d1) -> (0, 0)>
#map1 = affine_map<(d0, d1) -> (0)>
module attributes {stable_mosaic.version = 14 : i64} {
  func.func @body(%arg0: i32, %arg1: i32, %arg2: memref<4096x1024xf32, #tpu.memory_space<hbm>>, %arg3: memref<2048xi32, #tpu.memory_space<hbm>>, %arg4: memref<2048x1024xf32, #tpu.memory_space<hbm>>, %arg5: memref<1x64xi32, #tpu.memory_space<vmem>>, %arg6: memref<1x64x1024xf32, #tpu.memory_space<vmem>>, %arg7: memref<!tpu.dma_semaphore, #tpu.memory_space<semaphore_mem>>) attributes {dimension_semantics = [#tpu.dimension_semantics<core_parallel>, #tpu.dimension_semantics<subcore_parallel>], iteration_bounds = array<i64: 2, 16>, scalar_prefetch = 0 : i64, scratch_operands = 3 : i64, tpu.core_type = #tpu.core_type<sc_vector_subcore>, window_params = [{transform_indices = #map}, {transform_indices = #map1}, {transform_indices = #map}]} {
    %mul3A = arith.constant 2 : i32
    %mul3A_0 = arith.muli %arg1, %mul3A : i32
    %add3A = arith.addi %mul3A_0, %arg0 : i32
    %mul3A_1 = arith.constant 64 : i32
    %mul3A_2 = arith.muli %add3A, %mul3A_1 : i32
    %add3A_3 = arith.constant 0 : i32
    %add3A_4 = arith.addi %mul3A_2, %add3A_3 : i32
    %run_scoped3A = arith.constant 0 : i32
    "tpu.region"() ({
      %run_scoped3A_30 = tpu.sem_alloc : memref<!tpu.dma_semaphore, #tpu.memory_space<semaphore_mem>>
      %dma_start3A_31 = arith.constant 0 : i32
      %dma_start3A_32 = tpu.memref_slice %arg5[%run_scoped3A, %dma_start3A_31] : memref<1x64xi32, #tpu.memory_space<vmem>> -> memref<1x64xi32, #tpu.memory_space<vmem>>
      %dma_start3A_33 = tpu.memref_squeeze %dma_start3A_32 : memref<1x64xi32, #tpu.memory_space<vmem>> -> memref<64xi32, #tpu.memory_space<vmem>>
      %dma_start3A_34 = tpu.memref_slice %arg3[%add3A_4] : memref<2048xi32, #tpu.memory_space<hbm>> -> memref<64xi32, #tpu.memory_space<hbm>>
      %dma_start3A_35 = arith.constant 0 : i32
      %dma_start3A_36 = tpu.memref_slice %arg5[%run_scoped3A, %dma_start3A_35] : memref<1x64xi32, #tpu.memory_space<vmem>> -> memref<1x64xi32, #tpu.memory_space<vmem>>
      %dma_start3A_37 = tpu.memref_squeeze %dma_start3A_36 : memref<1x64xi32, #tpu.memory_space<vmem>> -> memref<64xi32, #tpu.memory_space<vmem>>
      %dma_start3A_38 = tpu.memref_slice %arg3[%add3A_4] : memref<2048xi32, #tpu.memory_space<hbm>> -> memref<64xi32, #tpu.memory_space<hbm>>
      tpu.enqueue_dma source(%dma_start3A_38 : memref<64xi32, #tpu.memory_space<hbm>>) target(%dma_start3A_37 : memref<64xi32, #tpu.memory_space<vmem>>) target_semaphore(%run_scoped3A_30 : memref<!tpu.dma_semaphore, #tpu.memory_space<semaphore_mem>>)
      %dma_wait3A_39 = arith.constant 0 : i32
      %dma_wait3A_40 = tpu.memref_slice %arg5[%run_scoped3A, %dma_wait3A_39] : memref<1x64xi32, #tpu.memory_space<vmem>> -> memref<1x64xi32, #tpu.memory_space<vmem>>
      %dma_wait3A_41 = tpu.memref_squeeze %dma_wait3A_40 : memref<1x64xi32, #tpu.memory_space<vmem>> -> memref<64xi32, #tpu.memory_space<vmem>>
      %dma_wait3A_42 = tpu.memref_slice %arg3[%add3A_4] : memref<2048xi32, #tpu.memory_space<hbm>> -> memref<64xi32, #tpu.memory_space<hbm>>
      %dma_wait3A_43 = arith.constant 0 : i32
      %dma_wait3A_44 = tpu.memref_slice %arg5[%run_scoped3A, %dma_wait3A_43] : memref<1x64xi32, #tpu.memory_space<vmem>> -> memref<1x64xi32, #tpu.memory_space<vmem>>
      %dma_wait3A_45 = tpu.memref_squeeze %dma_wait3A_44 : memref<1x64xi32, #tpu.memory_space<vmem>> -> memref<64xi32, #tpu.memory_space<vmem>>
      %dma_wait3A_46 = tpu.memref_slice %arg3[%add3A_4] : memref<2048xi32, #tpu.memory_space<hbm>> -> memref<64xi32, #tpu.memory_space<hbm>>
      tpu.wait_dma2 semaphore(%run_scoped3A_30 : memref<!tpu.dma_semaphore, #tpu.memory_space<semaphore_mem>>) src(%dma_wait3A_46 : memref<64xi32, #tpu.memory_space<hbm>>) dst(%dma_wait3A_45 : memref<64xi32, #tpu.memory_space<vmem>>)
      tpu.yield
    }) : () -> ()
    %dma_start3A = arith.constant 0 : i32
    %dma_start3A_5 = arith.constant 0 : i32
    %dma_start3A_6 = arith.constant 0 : i32
    %dma_start3A_7 = arith.constant 0 : i32
    %dma_start3A_8 = tpu.memref_slice %arg6[%dma_start3A_5, %dma_start3A_6, %dma_start3A_7] : memref<1x64x1024xf32, #tpu.memory_space<vmem>> -> memref<1x64x1024xf32, #tpu.memory_space<vmem>>
    %dma_start3A_9 = tpu.memref_squeeze %dma_start3A_8 : memref<1x64x1024xf32, #tpu.memory_space<vmem>> -> memref<64x1024xf32, #tpu.memory_space<vmem>>
    %dma_start3A_10 = arith.constant 0 : i32
    %dma_start3A_11 = tpu.memref_slice %arg5[%dma_start3A, %dma_start3A_10] : memref<1x64xi32, #tpu.memory_space<vmem>> -> memref<1x64xi32, #tpu.memory_space<vmem>>
    %dma_start3A_12 = tpu.memref_squeeze %dma_start3A_11 : memref<1x64xi32, #tpu.memory_space<vmem>> -> memref<64xi32, #tpu.memory_space<vmem>>
    %dma_start3A_13 = arith.constant 0 : i32
    %dma_start3A_14 = arith.constant 0 : i32
    %dma_start3A_15 = tpu.memref_slice %arg2[%dma_start3A_13, %dma_start3A_14] : memref<4096x1024xf32, #tpu.memory_space<hbm>> -> memref<4096x1024xf32, #tpu.memory_space<hbm>>
    tpu.enqueue_indirect_dma source(%dma_start3A_15 : memref<4096x1024xf32, #tpu.memory_space<hbm>>) target(%dma_start3A_9 : memref<64x1024xf32, #tpu.memory_space<vmem>>) offsets(%dma_start3A_12 : memref<64xi32, #tpu.memory_space<vmem>>) semaphore(%arg7 : memref<!tpu.dma_semaphore, #tpu.memory_space<semaphore_mem>>)
    %dma_wait3A = arith.constant 0 : i32
    %dma_wait3A_16 = arith.constant 0 : i32
    %dma_wait3A_17 = arith.constant 0 : i32
    %dma_wait3A_18 = arith.constant 0 : i32
    %dma_wait3A_19 = tpu.memref_slice %arg6[%dma_wait3A_16, %dma_wait3A_17, %dma_wait3A_18] : memref<1x64x1024xf32, #tpu.memory_space<vmem>> -> memref<1x64x1024xf32, #tpu.memory_space<vmem>>
    %dma_wait3A_20 = tpu.memref_squeeze %dma_wait3A_19 : memref<1x64x1024xf32, #tpu.memory_space<vmem>> -> memref<64x1024xf32, #tpu.memory_space<vmem>>
    %dma_wait3A_21 = arith.constant 0 : i32
    %dma_wait3A_22 = tpu.memref_slice %arg5[%dma_wait3A, %dma_wait3A_21] : memref<1x64xi32, #tpu.memory_space<vmem>> -> memref<1x64xi32, #tpu.memory_space<vmem>>
    %dma_wait3A_23 = tpu.memref_squeeze %dma_wait3A_22 : memref<1x64xi32, #tpu.memory_space<vmem>> -> memref<64xi32, #tpu.memory_space<vmem>>
    %dma_wait3A_24 = arith.constant 0 : i32
    %dma_wait3A_25 = arith.constant 0 : i32
    %dma_wait3A_26 = tpu.memref_slice %arg2[%dma_wait3A_24, %dma_wait3A_25] : memref<4096x1024xf32, #tpu.memory_space<hbm>> -> memref<4096x1024xf32, #tpu.memory_space<hbm>>
    tpu.wait_indirect_dma semaphore(%arg7 : memref<!tpu.dma_semaphore, #tpu.memory_space<semaphore_mem>>) src(%dma_wait3A_26 : memref<4096x1024xf32, #tpu.memory_space<hbm>>) dst(%dma_wait3A_20 : memref<64x1024xf32, #tpu.memory_space<vmem>>)
    %add3A_27 = arith.constant 0 : i32
    %add3A_28 = arith.addi %mul3A_2, %add3A_27 : i32
    %run_scoped3A_29 = arith.constant 0 : i32
    "tpu.region"() ({
      %run_scoped3A_30 = tpu.sem_alloc : memref<!tpu.dma_semaphore, #tpu.memory_space<semaphore_mem>>
      %dma_start3A_31 = arith.constant 0 : i32
      %dma_start3A_32 = arith.constant 0 : i32
      %dma_start3A_33 = tpu.memref_slice %arg6[%run_scoped3A_29, %dma_start3A_31, %dma_start3A_32] : memref<1x64x1024xf32, #tpu.memory_space<vmem>> -> memref<1x64x1024xf32, #tpu.memory_space<vmem>>
      %dma_start3A_34 = tpu.memref_squeeze %dma_start3A_33 : memref<1x64x1024xf32, #tpu.memory_space<vmem>> -> memref<64x1024xf32, #tpu.memory_space<vmem>>
      %dma_start3A_35 = arith.constant 0 : i32
      %dma_start3A_36 = tpu.memref_slice %arg4[%add3A_28, %dma_start3A_35] : memref<2048x1024xf32, #tpu.memory_space<hbm>> -> memref<64x1024xf32, #tpu.memory_space<hbm>>
      %dma_start3A_37 = arith.constant 0 : i32
      %dma_start3A_38 = tpu.memref_slice %arg4[%add3A_28, %dma_start3A_37] : memref<2048x1024xf32, #tpu.memory_space<hbm>> -> memref<64x1024xf32, #tpu.memory_space<hbm>>
      %dma_start3A_39 = arith.constant 0 : i32
      %dma_start3A_40 = arith.constant 0 : i32
      %dma_start3A_41 = tpu.memref_slice %arg6[%run_scoped3A_29, %dma_start3A_39, %dma_start3A_40] : memref<1x64x1024xf32, #tpu.memory_space<vmem>> -> memref<1x64x1024xf32, #tpu.memory_space<vmem>>
      %dma_start3A_42 = tpu.memref_squeeze %dma_start3A_41 : memref<1x64x1024xf32, #tpu.memory_space<vmem>> -> memref<64x1024xf32, #tpu.memory_space<vmem>>
      tpu.enqueue_dma source(%dma_start3A_42 : memref<64x1024xf32, #tpu.memory_space<vmem>>) target(%dma_start3A_38 : memref<64x1024xf32, #tpu.memory_space<hbm>>) target_semaphore(%run_scoped3A_30 : memref<!tpu.dma_semaphore, #tpu.memory_space<semaphore_mem>>)
      %dma_wait3A_43 = arith.constant 0 : i32
      %dma_wait3A_44 = arith.constant 0 : i32
      %dma_wait3A_45 = tpu.memref_slice %arg6[%run_scoped3A_29, %dma_wait3A_43, %dma_wait3A_44] : memref<1x64x1024xf32, #tpu.memory_space<vmem>> -> memref<1x64x1024xf32, #tpu.memory_space<vmem>>
      %dma_wait3A_46 = tpu.memref_squeeze %dma_wait3A_45 : memref<1x64x1024xf32, #tpu.memory_space<vmem>> -> memref<64x1024xf32, #tpu.memory_space<vmem>>
      %dma_wait3A_47 = arith.constant 0 : i32
      %dma_wait3A_48 = tpu.memref_slice %arg4[%add3A_28, %dma_wait3A_47] : memref<2048x1024xf32, #tpu.memory_space<hbm>> -> memref<64x1024xf32, #tpu.memory_space<hbm>>
      %dma_wait3A_49 = arith.constant 0 : i32
      %dma_wait3A_50 = tpu.memref_slice %arg4[%add3A_28, %dma_wait3A_49] : memref<2048x1024xf32, #tpu.memory_space<hbm>> -> memref<64x1024xf32, #tpu.memory_space<hbm>>
      %dma_wait3A_51 = arith.constant 0 : i32
      %dma_wait3A_52 = arith.constant 0 : i32
      %dma_wait3A_53 = tpu.memref_slice %arg6[%run_scoped3A_29, %dma_wait3A_51, %dma_wait3A_52] : memref<1x64x1024xf32, #tpu.memory_space<vmem>> -> memref<1x64x1024xf32, #tpu.memory_space<vmem>>
      %dma_wait3A_54 = tpu.memref_squeeze %dma_wait3A_53 : memref<1x64x1024xf32, #tpu.memory_space<vmem>> -> memref<64x1024xf32, #tpu.memory_space<vmem>>
      tpu.wait_dma2 semaphore(%run_scoped3A_30 : memref<!tpu.dma_semaphore, #tpu.memory_space<semaphore_mem>>) src(%dma_wait3A_54 : memref<64x1024xf32, #tpu.memory_space<vmem>>) dst(%dma_wait3A_50 : memref<64x1024xf32, #tpu.memory_space<hbm>>)
      tpu.yield
    }) : () -> ()
    return
  }
}

#map = affine_map<(d0, d1) -> (0, 0)>
#map1 = affine_map<(d0, d1) -> (0)>
module attributes {stable_mosaic.version = 14 : i64} {
  func.func @body(%arg0: i32, %arg1: i32, %arg2: memref<2048x1024xf32, #tpu.memory_space<hbm>>, %arg3: memref<2048xi32, #tpu.memory_space<hbm>>, %arg4: memref<4096x1024xf32, #tpu.memory_space<hbm>>, %arg5: memref<1x64xi32, #tpu.memory_space<vmem>>, %arg6: memref<1x64x1024xf32, #tpu.memory_space<vmem>>, %arg7: memref<!tpu.dma_semaphore, #tpu.memory_space<semaphore_mem>>) attributes {dimension_semantics = [#tpu.dimension_semantics<core_parallel>, #tpu.dimension_semantics<subcore_parallel>], iteration_bounds = array<i64: 2, 16>, scalar_prefetch = 0 : i64, scratch_operands = 3 : i64, tpu.core_type = #tpu.core_type<sc_vector_subcore>, window_params = [{transform_indices = #map}, {transform_indices = #map1}, {transform_indices = #map}]} {
    %mul3A = arith.constant 2 : i32
    %mul3A_0 = arith.muli %arg1, %mul3A : i32
    %add3A = arith.addi %mul3A_0, %arg0 : i32
    %mul3A_1 = arith.constant 64 : i32
    %mul3A_2 = arith.muli %add3A, %mul3A_1 : i32
    %add3A_3 = arith.constant 0 : i32
    %add3A_4 = arith.addi %mul3A_2, %add3A_3 : i32
    %run_scoped3A = arith.constant 0 : i32
    "tpu.region"() ({
      %run_scoped3A_30 = tpu.sem_alloc : memref<!tpu.dma_semaphore, #tpu.memory_space<semaphore_mem>>
      %dma_start3A_31 = arith.constant 0 : i32
      %dma_start3A_32 = tpu.memref_slice %arg5[%run_scoped3A, %dma_start3A_31] : memref<1x64xi32, #tpu.memory_space<vmem>> -> memref<1x64xi32, #tpu.memory_space<vmem>>
      %dma_start3A_33 = tpu.memref_squeeze %dma_start3A_32 : memref<1x64xi32, #tpu.memory_space<vmem>> -> memref<64xi32, #tpu.memory_space<vmem>>
      %dma_start3A_34 = tpu.memref_slice %arg3[%add3A_4] : memref<2048xi32, #tpu.memory_space<hbm>> -> memref<64xi32, #tpu.memory_space<hbm>>
      %dma_start3A_35 = arith.constant 0 : i32
      %dma_start3A_36 = tpu.memref_slice %arg5[%run_scoped3A, %dma_start3A_35] : memref<1x64xi32, #tpu.memory_space<vmem>> -> memref<1x64xi32, #tpu.memory_space<vmem>>
      %dma_start3A_37 = tpu.memref_squeeze %dma_start3A_36 : memref<1x64xi32, #tpu.memory_space<vmem>> -> memref<64xi32, #tpu.memory_space<vmem>>
      %dma_start3A_38 = tpu.memref_slice %arg3[%add3A_4] : memref<2048xi32, #tpu.memory_space<hbm>> -> memref<64xi32, #tpu.memory_space<hbm>>
      tpu.enqueue_dma source(%dma_start3A_38 : memref<64xi32, #tpu.memory_space<hbm>>) target(%dma_start3A_37 : memref<64xi32, #tpu.memory_space<vmem>>) target_semaphore(%run_scoped3A_30 : memref<!tpu.dma_semaphore, #tpu.memory_space<semaphore_mem>>)
      %dma_wait3A_39 = arith.constant 0 : i32
      %dma_wait3A_40 = tpu.memref_slice %arg5[%run_scoped3A, %dma_wait3A_39] : memref<1x64xi32, #tpu.memory_space<vmem>> -> memref<1x64xi32, #tpu.memory_space<vmem>>
      %dma_wait3A_41 = tpu.memref_squeeze %dma_wait3A_40 : memref<1x64xi32, #tpu.memory_space<vmem>> -> memref<64xi32, #tpu.memory_space<vmem>>
      %dma_wait3A_42 = tpu.memref_slice %arg3[%add3A_4] : memref<2048xi32, #tpu.memory_space<hbm>> -> memref<64xi32, #tpu.memory_space<hbm>>
      %dma_wait3A_43 = arith.constant 0 : i32
      %dma_wait3A_44 = tpu.memref_slice %arg5[%run_scoped3A, %dma_wait3A_43] : memref<1x64xi32, #tpu.memory_space<vmem>> -> memref<1x64xi32, #tpu.memory_space<vmem>>
      %dma_wait3A_45 = tpu.memref_squeeze %dma_wait3A_44 : memref<1x64xi32, #tpu.memory_space<vmem>> -> memref<64xi32, #tpu.memory_space<vmem>>
      %dma_wait3A_46 = tpu.memref_slice %arg3[%add3A_4] : memref<2048xi32, #tpu.memory_space<hbm>> -> memref<64xi32, #tpu.memory_space<hbm>>
      tpu.wait_dma2 semaphore(%run_scoped3A_30 : memref<!tpu.dma_semaphore, #tpu.memory_space<semaphore_mem>>) src(%dma_wait3A_46 : memref<64xi32, #tpu.memory_space<hbm>>) dst(%dma_wait3A_45 : memref<64xi32, #tpu.memory_space<vmem>>)
      tpu.yield
    }) : () -> ()
    %add3A_5 = arith.constant 0 : i32
    %add3A_6 = arith.addi %mul3A_2, %add3A_5 : i32
    %run_scoped3A_7 = arith.constant 0 : i32
    "tpu.region"() ({
      %run_scoped3A_30 = tpu.sem_alloc : memref<!tpu.dma_semaphore, #tpu.memory_space<semaphore_mem>>
      %dma_start3A_31 = arith.constant 0 : i32
      %dma_start3A_32 = arith.constant 0 : i32
      %dma_start3A_33 = tpu.memref_slice %arg6[%run_scoped3A_7, %dma_start3A_31, %dma_start3A_32] : memref<1x64x1024xf32, #tpu.memory_space<vmem>> -> memref<1x64x1024xf32, #tpu.memory_space<vmem>>
      %dma_start3A_34 = tpu.memref_squeeze %dma_start3A_33 : memref<1x64x1024xf32, #tpu.memory_space<vmem>> -> memref<64x1024xf32, #tpu.memory_space<vmem>>
      %dma_start3A_35 = arith.constant 0 : i32
      %dma_start3A_36 = tpu.memref_slice %arg2[%add3A_6, %dma_start3A_35] : memref<2048x1024xf32, #tpu.memory_space<hbm>> -> memref<64x1024xf32, #tpu.memory_space<hbm>>
      %dma_start3A_37 = arith.constant 0 : i32
      %dma_start3A_38 = arith.constant 0 : i32
      %dma_start3A_39 = tpu.memref_slice %arg6[%run_scoped3A_7, %dma_start3A_37, %dma_start3A_38] : memref<1x64x1024xf32, #tpu.memory_space<vmem>> -> memref<1x64x1024xf32, #tpu.memory_space<vmem>>
      %dma_start3A_40 = tpu.memref_squeeze %dma_start3A_39 : memref<1x64x1024xf32, #tpu.memory_space<vmem>> -> memref<64x1024xf32, #tpu.memory_space<vmem>>
      %dma_start3A_41 = arith.constant 0 : i32
      %dma_start3A_42 = tpu.memref_slice %arg2[%add3A_6, %dma_start3A_41] : memref<2048x1024xf32, #tpu.memory_space<hbm>> -> memref<64x1024xf32, #tpu.memory_space<hbm>>
      tpu.enqueue_dma source(%dma_start3A_42 : memref<64x1024xf32, #tpu.memory_space<hbm>>) target(%dma_start3A_40 : memref<64x1024xf32, #tpu.memory_space<vmem>>) target_semaphore(%run_scoped3A_30 : memref<!tpu.dma_semaphore, #tpu.memory_space<semaphore_mem>>)
      %dma_wait3A_43 = arith.constant 0 : i32
      %dma_wait3A_44 = arith.constant 0 : i32
      %dma_wait3A_45 = tpu.memref_slice %arg6[%run_scoped3A_7, %dma_wait3A_43, %dma_wait3A_44] : memref<1x64x1024xf32, #tpu.memory_space<vmem>> -> memref<1x64x1024xf32, #tpu.memory_space<vmem>>
      %dma_wait3A_46 = tpu.memref_squeeze %dma_wait3A_45 : memref<1x64x1024xf32, #tpu.memory_space<vmem>> -> memref<64x1024xf32, #tpu.memory_space<vmem>>
      %dma_wait3A_47 = arith.constant 0 : i32
      %dma_wait3A_48 = tpu.memref_slice %arg2[%add3A_6, %dma_wait3A_47] : memref<2048x1024xf32, #tpu.memory_space<hbm>> -> memref<64x1024xf32, #tpu.memory_space<hbm>>
      %dma_wait3A_49 = arith.constant 0 : i32
      %dma_wait3A_50 = arith.constant 0 : i32
      %dma_wait3A_51 = tpu.memref_slice %arg6[%run_scoped3A_7, %dma_wait3A_49, %dma_wait3A_50] : memref<1x64x1024xf32, #tpu.memory_space<vmem>> -> memref<1x64x1024xf32, #tpu.memory_space<vmem>>
      %dma_wait3A_52 = tpu.memref_squeeze %dma_wait3A_51 : memref<1x64x1024xf32, #tpu.memory_space<vmem>> -> memref<64x1024xf32, #tpu.memory_space<vmem>>
      %dma_wait3A_53 = arith.constant 0 : i32
      %dma_wait3A_54 = tpu.memref_slice %arg2[%add3A_6, %dma_wait3A_53] : memref<2048x1024xf32, #tpu.memory_space<hbm>> -> memref<64x1024xf32, #tpu.memory_space<hbm>>
      tpu.wait_dma2 semaphore(%run_scoped3A_30 : memref<!tpu.dma_semaphore, #tpu.memory_space<semaphore_mem>>) src(%dma_wait3A_54 : memref<64x1024xf32, #tpu.memory_space<hbm>>) dst(%dma_wait3A_52 : memref<64x1024xf32, #tpu.memory_space<vmem>>)
      tpu.yield
    }) : () -> ()
    %dma_start3A = arith.constant 0 : i32
    %dma_start3A_8 = arith.constant 0 : i32
    %dma_start3A_9 = arith.constant 0 : i32
    %dma_start3A_10 = arith.constant 0 : i32
    %dma_start3A_11 = tpu.memref_slice %arg6[%dma_start3A, %dma_start3A_9, %dma_start3A_10] : memref<1x64x1024xf32, #tpu.memory_space<vmem>> -> memref<1x64x1024xf32, #tpu.memory_space<vmem>>
    %dma_start3A_12 = tpu.memref_squeeze %dma_start3A_11 : memref<1x64x1024xf32, #tpu.memory_space<vmem>> -> memref<64x1024xf32, #tpu.memory_space<vmem>>
    %dma_start3A_13 = arith.constant 0 : i32
    %dma_start3A_14 = tpu.memref_slice %arg5[%dma_start3A_8, %dma_start3A_13] : memref<1x64xi32, #tpu.memory_space<vmem>> -> memref<1x64xi32, #tpu.memory_space<vmem>>
    %dma_start3A_15 = tpu.memref_squeeze %dma_start3A_14 : memref<1x64xi32, #tpu.memory_space<vmem>> -> memref<64xi32, #tpu.memory_space<vmem>>
    %dma_start3A_16 = arith.constant 0 : i32
    %dma_start3A_17 = arith.constant 0 : i32
    %dma_start3A_18 = tpu.memref_slice %arg4[%dma_start3A_16, %dma_start3A_17] : memref<4096x1024xf32, #tpu.memory_space<hbm>> -> memref<4096x1024xf32, #tpu.memory_space<hbm>>
    tpu.enqueue_indirect_dma source(%dma_start3A_12 : memref<64x1024xf32, #tpu.memory_space<vmem>>) target(%dma_start3A_18 : memref<4096x1024xf32, #tpu.memory_space<hbm>>) offsets(%dma_start3A_15 : memref<64xi32, #tpu.memory_space<vmem>>) semaphore(%arg7 : memref<!tpu.dma_semaphore, #tpu.memory_space<semaphore_mem>>)
    %dma_wait3A = arith.constant 0 : i32
    %dma_wait3A_19 = arith.constant 0 : i32
    %dma_wait3A_20 = arith.constant 0 : i32
    %dma_wait3A_21 = arith.constant 0 : i32
    %dma_wait3A_22 = tpu.memref_slice %arg6[%dma_wait3A, %dma_wait3A_20, %dma_wait3A_21] : memref<1x64x1024xf32, #tpu.memory_space<vmem>> -> memref<1x64x1024xf32, #tpu.memory_space<vmem>>
    %dma_wait3A_23 = tpu.memref_squeeze %dma_wait3A_22 : memref<1x64x1024xf32, #tpu.memory_space<vmem>> -> memref<64x1024xf32, #tpu.memory_space<vmem>>
    %dma_wait3A_24 = arith.constant 0 : i32
    %dma_wait3A_25 = tpu.memref_slice %arg5[%dma_wait3A_19, %dma_wait3A_24] : memref<1x64xi32, #tpu.memory_space<vmem>> -> memref<1x64xi32, #tpu.memory_space<vmem>>
    %dma_wait3A_26 = tpu.memref_squeeze %dma_wait3A_25 : memref<1x64xi32, #tpu.memory_space<vmem>> -> memref<64xi32, #tpu.memory_space<vmem>>
    %dma_wait3A_27 = arith.constant 0 : i32
    %dma_wait3A_28 = arith.constant 0 : i32
    %dma_wait3A_29 = tpu.memref_slice %arg4[%dma_wait3A_27, %dma_wait3A_28] : memref<4096x1024xf32, #tpu.memory_space<hbm>> -> memref<4096x1024xf32, #tpu.memory_space<hbm>>
    tpu.wait_indirect_dma semaphore(%arg7 : memref<!tpu.dma_semaphore, #tpu.memory_space<semaphore_mem>>) src(%dma_wait3A_23 : memref<64x1024xf32, #tpu.memory_space<vmem>>) dst(%dma_wait3A_29 : memref<4096x1024xf32, #tpu.memory_space<hbm>>)
    return
  }
}

module attributes {stable_mosaic.version = 14 : i64} {
  func.func @_route_body(%arg0: memref<16x128xi32, #tpu.memory_space<vmem>>, %arg1: memref<16x128xi32, #tpu.memory_space<vmem>>, %arg2: memref<8x128xi32, #tpu.memory_space<vmem>>) attributes {dimension_semantics = [], scalar_prefetch = 0 : i64, scratch_operands = 0 : i64, tpu.core_type = #tpu.core_type<tc>} {
    %get3A = arith.constant 0 : index
    %get3A_0 = arith.constant 0 : index
    %get3A_1 = vector.load %arg0[%get3A, %get3A_0] : memref<16x128xi32, #tpu.memory_space<vmem>>, vector<16x128xi32>
    %iota3A = tpu.iota {dimensions = array<i32: 0>} : vector<128x128xi32>
    %iota3A_2 = tpu.iota {dimensions = array<i32: 1>} : vector<128x128xi32>
    %lt3A = arith.cmpi slt, %iota3A, %iota3A_2 : vector<128x128xi32>
    %convert_element_type3A = arith.extui %lt3A : vector<128x128xi1> to vector<128x128xi32>
    %convert_element_type3A_3 = arith.sitofp %convert_element_type3A : vector<128x128xi32> to vector<128x128xf32>
    %iota3A_4 = tpu.iota {dimensions = array<i32: 0>} : vector<16x16xi32>
    %iota3A_5 = tpu.iota {dimensions = array<i32: 1>} : vector<16x16xi32>
    %lt3A_6 = arith.cmpi slt, %iota3A_5, %iota3A_4 : vector<16x16xi32>
    %convert_element_type3A_7 = arith.extui %lt3A_6 : vector<16x16xi1> to vector<16x16xi32>
    %convert_element_type3A_8 = arith.sitofp %convert_element_type3A_7 : vector<16x16xi32> to vector<16x16xf32>
    %eq3A = arith.constant 0 : i32
    %eq3A_9 = vector.broadcast %eq3A : i32 to vector<16x128xi32>
    %eq3A_10 = arith.cmpi eq, %get3A_1, %eq3A_9 : vector<16x128xi32>
    %convert_element_type3A_11 = arith.extui %eq3A_10 : vector<16x128xi1> to vector<16x128xi32>
    %convert_element_type3A_12 = arith.sitofp %convert_element_type3A_11 : vector<16x128xi32> to vector<16x128xf32>
    %dot_general3A = arith.constant dense<0.000000e+00> : vector<16x128xf32>
    %dot_general3A_13 = tpu.matmul %convert_element_type3A_12, %convert_element_type3A_3, %dot_general3A {dimension_numbers = #tpu.dot_dimension_numbers<[1], [0], [0], [1], [0, 0, 1, 1], [], []>, transpose_lhs_hint = false} : vector<16x128xf32>, vector<128x128xf32>, vector<16x128xf32> -> vector<16x128xf32>
    %reduce_sum3A = arith.constant dense<0.000000e+00> : vector<16xf32>
    %reduce_sum3A_14 = vector.multi_reduction <add>, %convert_element_type3A_12, %reduce_sum3A [1] : vector<16x128xf32> to vector<16xf32>
    %broadcast_in_dim3A = vector.shape_cast %reduce_sum3A_14 : vector<16xf32> to vector<16x1xf32>
    %dot_general3A_15 = arith.constant dense<0.000000e+00> : vector<16x1xf32>
    %dot_general3A_16 = tpu.matmul %convert_element_type3A_8, %broadcast_in_dim3A, %dot_general3A_15 {dimension_numbers = #tpu.dot_dimension_numbers<[1], [0], [0], [1], [0, 0, 1, 1], [], []>, transpose_lhs_hint = false} : vector<16x16xf32>, vector<16x1xf32>, vector<16x1xf32> -> vector<16x1xf32>
    %add3A = vector.broadcast %dot_general3A_16 : vector<16x1xf32> to vector<16x128xf32>
    %add3A_17 = arith.addf %dot_general3A_13, %add3A : vector<16x128xf32>
    %reduce_sum3A_18 = vector.shape_cast %convert_element_type3A_12 : vector<16x128xf32> to vector<1x16x128xf32>
    %reduce_sum3A_19 = arith.constant dense<0.000000e+00> : vector<1xf32>
    %reduce_sum3A_20 = vector.multi_reduction <add>, %reduce_sum3A_18, %reduce_sum3A_19 [1, 2] : vector<1x16x128xf32> to vector<1xf32>
    %reduce_sum3A_21 = vector.shape_cast %reduce_sum3A_20 : vector<1xf32> to vector<1x1x1xf32>
    %reduce_sum3A_22 = vector.extract %reduce_sum3A_21[0, 0, 0] : f32 from vector<1x1x1xf32>
    %convert_element_type3A_23 = arith.fptosi %reduce_sum3A_22 : f32 to i32
    %eq3A_24 = arith.constant 1 : i32
    %eq3A_25 = vector.broadcast %eq3A_24 : i32 to vector<16x128xi32>
    %eq3A_26 = arith.cmpi eq, %get3A_1, %eq3A_25 : vector<16x128xi32>
    %convert_element_type3A_27 = arith.extui %eq3A_26 : vector<16x128xi1> to vector<16x128xi32>
    %convert_element_type3A_28 = arith.sitofp %convert_element_type3A_27 : vector<16x128xi32> to vector<16x128xf32>
    %dot_general3A_29 = arith.constant dense<0.000000e+00> : vector<16x128xf32>
    %dot_general3A_30 = tpu.matmul %convert_element_type3A_28, %convert_element_type3A_3, %dot_general3A_29 {dimension_numbers = #tpu.dot_dimension_numbers<[1], [0], [0], [1], [0, 0, 1, 1], [], []>, transpose_lhs_hint = false} : vector<16x128xf32>, vector<128x128xf32>, vector<16x128xf32> -> vector<16x128xf32>
    %reduce_sum3A_31 = arith.constant dense<0.000000e+00> : vector<16xf32>
    %reduce_sum3A_32 = vector.multi_reduction <add>, %convert_element_type3A_28, %reduce_sum3A_31 [1] : vector<16x128xf32> to vector<16xf32>
    %broadcast_in_dim3A_33 = vector.shape_cast %reduce_sum3A_32 : vector<16xf32> to vector<16x1xf32>
    %dot_general3A_34 = arith.constant dense<0.000000e+00> : vector<16x1xf32>
    %dot_general3A_35 = tpu.matmul %convert_element_type3A_8, %broadcast_in_dim3A_33, %dot_general3A_34 {dimension_numbers = #tpu.dot_dimension_numbers<[1], [0], [0], [1], [0, 0, 1, 1], [], []>, transpose_lhs_hint = false} : vector<16x16xf32>, vector<16x1xf32>, vector<16x1xf32> -> vector<16x1xf32>
    %add3A_36 = vector.broadcast %dot_general3A_35 : vector<16x1xf32> to vector<16x128xf32>
    %add3A_37 = arith.addf %dot_general3A_30, %add3A_36 : vector<16x128xf32>
    %reduce_sum3A_38 = vector.shape_cast %convert_element_type3A_28 : vector<16x128xf32> to vector<1x16x128xf32>
    %reduce_sum3A_39 = arith.constant dense<0.000000e+00> : vector<1xf32>
    %reduce_sum3A_40 = vector.multi_reduction <add>, %reduce_sum3A_38, %reduce_sum3A_39 [1, 2] : vector<1x16x128xf32> to vector<1xf32>
    %reduce_sum3A_41 = vector.shape_cast %reduce_sum3A_40 : vector<1xf32> to vector<1x1x1xf32>
    %reduce_sum3A_42 = vector.extract %reduce_sum3A_41[0, 0, 0] : f32 from vector<1x1x1xf32>
    %convert_element_type3A_43 = arith.fptosi %reduce_sum3A_42 : f32 to i32
    %eq3A_44 = arith.constant 2 : i32
    %eq3A_45 = vector.broadcast %eq3A_44 : i32 to vector<16x128xi32>
    %eq3A_46 = arith.cmpi eq, %get3A_1, %eq3A_45 : vector<16x128xi32>
    %convert_element_type3A_47 = arith.extui %eq3A_46 : vector<16x128xi1> to vector<16x128xi32>
    %convert_element_type3A_48 = arith.sitofp %convert_element_type3A_47 : vector<16x128xi32> to vector<16x128xf32>
    %dot_general3A_49 = arith.constant dense<0.000000e+00> : vector<16x128xf32>
    %dot_general3A_50 = tpu.matmul %convert_element_type3A_48, %convert_element_type3A_3, %dot_general3A_49 {dimension_numbers = #tpu.dot_dimension_numbers<[1], [0], [0], [1], [0, 0, 1, 1], [], []>, transpose_lhs_hint = false} : vector<16x128xf32>, vector<128x128xf32>, vector<16x128xf32> -> vector<16x128xf32>
    %reduce_sum3A_51 = arith.constant dense<0.000000e+00> : vector<16xf32>
    %reduce_sum3A_52 = vector.multi_reduction <add>, %convert_element_type3A_48, %reduce_sum3A_51 [1] : vector<16x128xf32> to vector<16xf32>
    %broadcast_in_dim3A_53 = vector.shape_cast %reduce_sum3A_52 : vector<16xf32> to vector<16x1xf32>
    %dot_general3A_54 = arith.constant dense<0.000000e+00> : vector<16x1xf32>
    %dot_general3A_55 = tpu.matmul %convert_element_type3A_8, %broadcast_in_dim3A_53, %dot_general3A_54 {dimension_numbers = #tpu.dot_dimension_numbers<[1], [0], [0], [1], [0, 0, 1, 1], [], []>, transpose_lhs_hint = false} : vector<16x16xf32>, vector<16x1xf32>, vector<16x1xf32> -> vector<16x1xf32>
    %add3A_56 = vector.broadcast %dot_general3A_55 : vector<16x1xf32> to vector<16x128xf32>
    %add3A_57 = arith.addf %dot_general3A_50, %add3A_56 : vector<16x128xf32>
    %reduce_sum3A_58 = vector.shape_cast %convert_element_type3A_48 : vector<16x128xf32> to vector<1x16x128xf32>
    %reduce_sum3A_59 = arith.constant dense<0.000000e+00> : vector<1xf32>
    %reduce_sum3A_60 = vector.multi_reduction <add>, %reduce_sum3A_58, %reduce_sum3A_59 [1, 2] : vector<1x16x128xf32> to vector<1xf32>
    %reduce_sum3A_61 = vector.shape_cast %reduce_sum3A_60 : vector<1xf32> to vector<1x1x1xf32>
    %reduce_sum3A_62 = vector.extract %reduce_sum3A_61[0, 0, 0] : f32 from vector<1x1x1xf32>
    %convert_element_type3A_63 = arith.fptosi %reduce_sum3A_62 : f32 to i32
    %eq3A_64 = arith.constant 3 : i32
    %eq3A_65 = vector.broadcast %eq3A_64 : i32 to vector<16x128xi32>
    %eq3A_66 = arith.cmpi eq, %get3A_1, %eq3A_65 : vector<16x128xi32>
    %convert_element_type3A_67 = arith.extui %eq3A_66 : vector<16x128xi1> to vector<16x128xi32>
    %convert_element_type3A_68 = arith.sitofp %convert_element_type3A_67 : vector<16x128xi32> to vector<16x128xf32>
    %dot_general3A_69 = arith.constant dense<0.000000e+00> : vector<16x128xf32>
    %dot_general3A_70 = tpu.matmul %convert_element_type3A_68, %convert_element_type3A_3, %dot_general3A_69 {dimension_numbers = #tpu.dot_dimension_numbers<[1], [0], [0], [1], [0, 0, 1, 1], [], []>, transpose_lhs_hint = false} : vector<16x128xf32>, vector<128x128xf32>, vector<16x128xf32> -> vector<16x128xf32>
    %reduce_sum3A_71 = arith.constant dense<0.000000e+00> : vector<16xf32>
    %reduce_sum3A_72 = vector.multi_reduction <add>, %convert_element_type3A_68, %reduce_sum3A_71 [1] : vector<16x128xf32> to vector<16xf32>
    %broadcast_in_dim3A_73 = vector.shape_cast %reduce_sum3A_72 : vector<16xf32> to vector<16x1xf32>
    %dot_general3A_74 = arith.constant dense<0.000000e+00> : vector<16x1xf32>
    %dot_general3A_75 = tpu.matmul %convert_element_type3A_8, %broadcast_in_dim3A_73, %dot_general3A_74 {dimension_numbers = #tpu.dot_dimension_numbers<[1], [0], [0], [1], [0, 0, 1, 1], [], []>, transpose_lhs_hint = false} : vector<16x16xf32>, vector<16x1xf32>, vector<16x1xf32> -> vector<16x1xf32>
    %add3A_76 = vector.broadcast %dot_general3A_75 : vector<16x1xf32> to vector<16x128xf32>
    %add3A_77 = arith.addf %dot_general3A_70, %add3A_76 : vector<16x128xf32>
    %reduce_sum3A_78 = vector.shape_cast %convert_element_type3A_68 : vector<16x128xf32> to vector<1x16x128xf32>
    %reduce_sum3A_79 = arith.constant dense<0.000000e+00> : vector<1xf32>
    %reduce_sum3A_80 = vector.multi_reduction <add>, %reduce_sum3A_78, %reduce_sum3A_79 [1, 2] : vector<1x16x128xf32> to vector<1xf32>
    %reduce_sum3A_81 = vector.shape_cast %reduce_sum3A_80 : vector<1xf32> to vector<1x1x1xf32>
    %reduce_sum3A_82 = vector.extract %reduce_sum3A_81[0, 0, 0] : f32 from vector<1x1x1xf32>
    %convert_element_type3A_83 = arith.fptosi %reduce_sum3A_82 : f32 to i32
    %eq3A_84 = arith.constant 4 : i32
    %eq3A_85 = vector.broadcast %eq3A_84 : i32 to vector<16x128xi32>
    %eq3A_86 = arith.cmpi eq, %get3A_1, %eq3A_85 : vector<16x128xi32>
    %convert_element_type3A_87 = arith.extui %eq3A_86 : vector<16x128xi1> to vector<16x128xi32>
    %convert_element_type3A_88 = arith.sitofp %convert_element_type3A_87 : vector<16x128xi32> to vector<16x128xf32>
    %dot_general3A_89 = arith.constant dense<0.000000e+00> : vector<16x128xf32>
    %dot_general3A_90 = tpu.matmul %convert_element_type3A_88, %convert_element_type3A_3, %dot_general3A_89 {dimension_numbers = #tpu.dot_dimension_numbers<[1], [0], [0], [1], [0, 0, 1, 1], [], []>, transpose_lhs_hint = false} : vector<16x128xf32>, vector<128x128xf32>, vector<16x128xf32> -> vector<16x128xf32>
    %reduce_sum3A_91 = arith.constant dense<0.000000e+00> : vector<16xf32>
    %reduce_sum3A_92 = vector.multi_reduction <add>, %convert_element_type3A_88, %reduce_sum3A_91 [1] : vector<16x128xf32> to vector<16xf32>
    %broadcast_in_dim3A_93 = vector.shape_cast %reduce_sum3A_92 : vector<16xf32> to vector<16x1xf32>
    %dot_general3A_94 = arith.constant dense<0.000000e+00> : vector<16x1xf32>
    %dot_general3A_95 = tpu.matmul %convert_element_type3A_8, %broadcast_in_dim3A_93, %dot_general3A_94 {dimension_numbers = #tpu.dot_dimension_numbers<[1], [0], [0], [1], [0, 0, 1, 1], [], []>, transpose_lhs_hint = false} : vector<16x16xf32>, vector<16x1xf32>, vector<16x1xf32> -> vector<16x1xf32>
    %add3A_96 = vector.broadcast %dot_general3A_95 : vector<16x1xf32> to vector<16x128xf32>
    %add3A_97 = arith.addf %dot_general3A_90, %add3A_96 : vector<16x128xf32>
    %reduce_sum3A_98 = vector.shape_cast %convert_element_type3A_88 : vector<16x128xf32> to vector<1x16x128xf32>
    %reduce_sum3A_99 = arith.constant dense<0.000000e+00> : vector<1xf32>
    %reduce_sum3A_100 = vector.multi_reduction <add>, %reduce_sum3A_98, %reduce_sum3A_99 [1, 2] : vector<1x16x128xf32> to vector<1xf32>
    %reduce_sum3A_101 = vector.shape_cast %reduce_sum3A_100 : vector<1xf32> to vector<1x1x1xf32>
    %reduce_sum3A_102 = vector.extract %reduce_sum3A_101[0, 0, 0] : f32 from vector<1x1x1xf32>
    %convert_element_type3A_103 = arith.fptosi %reduce_sum3A_102 : f32 to i32
    %eq3A_104 = arith.constant 5 : i32
    %eq3A_105 = vector.broadcast %eq3A_104 : i32 to vector<16x128xi32>
    %eq3A_106 = arith.cmpi eq, %get3A_1, %eq3A_105 : vector<16x128xi32>
    %convert_element_type3A_107 = arith.extui %eq3A_106 : vector<16x128xi1> to vector<16x128xi32>
    %convert_element_type3A_108 = arith.sitofp %convert_element_type3A_107 : vector<16x128xi32> to vector<16x128xf32>
    %dot_general3A_109 = arith.constant dense<0.000000e+00> : vector<16x128xf32>
    %dot_general3A_110 = tpu.matmul %convert_element_type3A_108, %convert_element_type3A_3, %dot_general3A_109 {dimension_numbers = #tpu.dot_dimension_numbers<[1], [0], [0], [1], [0, 0, 1, 1], [], []>, transpose_lhs_hint = false} : vector<16x128xf32>, vector<128x128xf32>, vector<16x128xf32> -> vector<16x128xf32>
    %reduce_sum3A_111 = arith.constant dense<0.000000e+00> : vector<16xf32>
    %reduce_sum3A_112 = vector.multi_reduction <add>, %convert_element_type3A_108, %reduce_sum3A_111 [1] : vector<16x128xf32> to vector<16xf32>
    %broadcast_in_dim3A_113 = vector.shape_cast %reduce_sum3A_112 : vector<16xf32> to vector<16x1xf32>
    %dot_general3A_114 = arith.constant dense<0.000000e+00> : vector<16x1xf32>
    %dot_general3A_115 = tpu.matmul %convert_element_type3A_8, %broadcast_in_dim3A_113, %dot_general3A_114 {dimension_numbers = #tpu.dot_dimension_numbers<[1], [0], [0], [1], [0, 0, 1, 1], [], []>, transpose_lhs_hint = false} : vector<16x16xf32>, vector<16x1xf32>, vector<16x1xf32> -> vector<16x1xf32>
    %add3A_116 = vector.broadcast %dot_general3A_115 : vector<16x1xf32> to vector<16x128xf32>
    %add3A_117 = arith.addf %dot_general3A_110, %add3A_116 : vector<16x128xf32>
    %reduce_sum3A_118 = vector.shape_cast %convert_element_type3A_108 : vector<16x128xf32> to vector<1x16x128xf32>
    %reduce_sum3A_119 = arith.constant dense<0.000000e+00> : vector<1xf32>
    %reduce_sum3A_120 = vector.multi_reduction <add>, %reduce_sum3A_118, %reduce_sum3A_119 [1, 2] : vector<1x16x128xf32> to vector<1xf32>
    %reduce_sum3A_121 = vector.shape_cast %reduce_sum3A_120 : vector<1xf32> to vector<1x1x1xf32>
    %reduce_sum3A_122 = vector.extract %reduce_sum3A_121[0, 0, 0] : f32 from vector<1x1x1xf32>
    %convert_element_type3A_123 = arith.fptosi %reduce_sum3A_122 : f32 to i32
    %eq3A_124 = arith.constant 6 : i32
    %eq3A_125 = vector.broadcast %eq3A_124 : i32 to vector<16x128xi32>
    %eq3A_126 = arith.cmpi eq, %get3A_1, %eq3A_125 : vector<16x128xi32>
    %convert_element_type3A_127 = arith.extui %eq3A_126 : vector<16x128xi1> to vector<16x128xi32>
    %convert_element_type3A_128 = arith.sitofp %convert_element_type3A_127 : vector<16x128xi32> to vector<16x128xf32>
    %dot_general3A_129 = arith.constant dense<0.000000e+00> : vector<16x128xf32>
    %dot_general3A_130 = tpu.matmul %convert_element_type3A_128, %convert_element_type3A_3, %dot_general3A_129 {dimension_numbers = #tpu.dot_dimension_numbers<[1], [0], [0], [1], [0, 0, 1, 1], [], []>, transpose_lhs_hint = false} : vector<16x128xf32>, vector<128x128xf32>, vector<16x128xf32> -> vector<16x128xf32>
    %reduce_sum3A_131 = arith.constant dense<0.000000e+00> : vector<16xf32>
    %reduce_sum3A_132 = vector.multi_reduction <add>, %convert_element_type3A_128, %reduce_sum3A_131 [1] : vector<16x128xf32> to vector<16xf32>
    %broadcast_in_dim3A_133 = vector.shape_cast %reduce_sum3A_132 : vector<16xf32> to vector<16x1xf32>
    %dot_general3A_134 = arith.constant dense<0.000000e+00> : vector<16x1xf32>
    %dot_general3A_135 = tpu.matmul %convert_element_type3A_8, %broadcast_in_dim3A_133, %dot_general3A_134 {dimension_numbers = #tpu.dot_dimension_numbers<[1], [0], [0], [1], [0, 0, 1, 1], [], []>, transpose_lhs_hint = false} : vector<16x16xf32>, vector<16x1xf32>, vector<16x1xf32> -> vector<16x1xf32>
    %add3A_136 = vector.broadcast %dot_general3A_135 : vector<16x1xf32> to vector<16x128xf32>
    %add3A_137 = arith.addf %dot_general3A_130, %add3A_136 : vector<16x128xf32>
    %reduce_sum3A_138 = vector.shape_cast %convert_element_type3A_128 : vector<16x128xf32> to vector<1x16x128xf32>
    %reduce_sum3A_139 = arith.constant dense<0.000000e+00> : vector<1xf32>
    %reduce_sum3A_140 = vector.multi_reduction <add>, %reduce_sum3A_138, %reduce_sum3A_139 [1, 2] : vector<1x16x128xf32> to vector<1xf32>
    %reduce_sum3A_141 = vector.shape_cast %reduce_sum3A_140 : vector<1xf32> to vector<1x1x1xf32>
    %reduce_sum3A_142 = vector.extract %reduce_sum3A_141[0, 0, 0] : f32 from vector<1x1x1xf32>
    %convert_element_type3A_143 = arith.fptosi %reduce_sum3A_142 : f32 to i32
    %eq3A_144 = arith.constant 7 : i32
    %eq3A_145 = vector.broadcast %eq3A_144 : i32 to vector<16x128xi32>
    %eq3A_146 = arith.cmpi eq, %get3A_1, %eq3A_145 : vector<16x128xi32>
    %convert_element_type3A_147 = arith.extui %eq3A_146 : vector<16x128xi1> to vector<16x128xi32>
    %convert_element_type3A_148 = arith.sitofp %convert_element_type3A_147 : vector<16x128xi32> to vector<16x128xf32>
    %dot_general3A_149 = arith.constant dense<0.000000e+00> : vector<16x128xf32>
    %dot_general3A_150 = tpu.matmul %convert_element_type3A_148, %convert_element_type3A_3, %dot_general3A_149 {dimension_numbers = #tpu.dot_dimension_numbers<[1], [0], [0], [1], [0, 0, 1, 1], [], []>, transpose_lhs_hint = false} : vector<16x128xf32>, vector<128x128xf32>, vector<16x128xf32> -> vector<16x128xf32>
    %reduce_sum3A_151 = arith.constant dense<0.000000e+00> : vector<16xf32>
    %reduce_sum3A_152 = vector.multi_reduction <add>, %convert_element_type3A_148, %reduce_sum3A_151 [1] : vector<16x128xf32> to vector<16xf32>
    %broadcast_in_dim3A_153 = vector.shape_cast %reduce_sum3A_152 : vector<16xf32> to vector<16x1xf32>
    %dot_general3A_154 = arith.constant dense<0.000000e+00> : vector<16x1xf32>
    %dot_general3A_155 = tpu.matmul %convert_element_type3A_8, %broadcast_in_dim3A_153, %dot_general3A_154 {dimension_numbers = #tpu.dot_dimension_numbers<[1], [0], [0], [1], [0, 0, 1, 1], [], []>, transpose_lhs_hint = false} : vector<16x16xf32>, vector<16x1xf32>, vector<16x1xf32> -> vector<16x1xf32>
    %add3A_156 = vector.broadcast %dot_general3A_155 : vector<16x1xf32> to vector<16x128xf32>
    %add3A_157 = arith.addf %dot_general3A_150, %add3A_156 : vector<16x128xf32>
    %reduce_sum3A_158 = vector.shape_cast %convert_element_type3A_148 : vector<16x128xf32> to vector<1x16x128xf32>
    %reduce_sum3A_159 = arith.constant dense<0.000000e+00> : vector<1xf32>
    %reduce_sum3A_160 = vector.multi_reduction <add>, %reduce_sum3A_158, %reduce_sum3A_159 [1, 2] : vector<1x16x128xf32> to vector<1xf32>
    %reduce_sum3A_161 = vector.shape_cast %reduce_sum3A_160 : vector<1xf32> to vector<1x1x1xf32>
    %reduce_sum3A_162 = vector.extract %reduce_sum3A_161[0, 0, 0] : f32 from vector<1x1x1xf32>
    %convert_element_type3A_163 = arith.fptosi %reduce_sum3A_162 : f32 to i32
    %mul3A = arith.constant 0 : i32
    %mul3A_164 = arith.constant 256 : i32
    %mul3A_165 = arith.muli %mul3A, %mul3A_164 : i32
    %add3A_166 = arith.constant 255 : i32
    %add3A_167 = arith.addi %convert_element_type3A_23, %add3A_166 : i32
    %jit3A = arith.constant 256 : i32
    %div3A = arith.divsi %add3A_167, %jit3A : i32
    %sign3A = arith.constant 0 : i32
    %sign3A_168 = arith.cmpi sgt, %add3A_167, %sign3A : i32
    %sign3A_169 = arith.extui %sign3A_168 : i1 to i32
    %sign3A_170 = arith.constant 0 : i32
    %sign3A_171 = arith.cmpi slt, %add3A_167, %sign3A_170 : i32
    %sign3A_172 = arith.extui %sign3A_171 : i1 to i32
    %sign3A_173 = arith.subi %sign3A_169, %sign3A_172 : i32
    %sign3A_174 = arith.constant 0 : i32
    %sign3A_175 = arith.cmpi sgt, %jit3A, %sign3A_174 : i32
    %sign3A_176 = arith.extui %sign3A_175 : i1 to i32
    %sign3A_177 = arith.constant 0 : i32
    %sign3A_178 = arith.cmpi slt, %jit3A, %sign3A_177 : i32
    %sign3A_179 = arith.extui %sign3A_178 : i1 to i32
    %sign3A_180 = arith.subi %sign3A_176, %sign3A_179 : i32
    %ne3A = arith.cmpi ne, %sign3A_173, %sign3A_180 : i32
    %rem3A = arith.remsi %add3A_167, %jit3A : i32
    %ne3A_181 = arith.constant 0 : i32
    %ne3A_182 = arith.cmpi ne, %rem3A, %ne3A_181 : i32
    %and3A = arith.andi %ne3A, %ne3A_182 : i1
    %sub3A = arith.constant 1 : i32
    %sub3A_183 = arith.subi %div3A, %sub3A : i32
    %select_n3A = arith.select %and3A, %sub3A_183, %div3A : i32
    %add3A_184 = arith.constant 0 : i32
    %add3A_185 = arith.addi %add3A_184, %select_n3A : i32
    %mul3A_186 = arith.constant 256 : i32
    %mul3A_187 = arith.muli %add3A_185, %mul3A_186 : i32
    %add3A_188 = arith.constant 255 : i32
    %add3A_189 = arith.addi %convert_element_type3A_43, %add3A_188 : i32
    %jit3A_190 = arith.constant 256 : i32
    %div3A_191 = arith.divsi %add3A_189, %jit3A_190 : i32
    %sign3A_192 = arith.constant 0 : i32
    %sign3A_193 = arith.cmpi sgt, %add3A_189, %sign3A_192 : i32
    %sign3A_194 = arith.extui %sign3A_193 : i1 to i32
    %sign3A_195 = arith.constant 0 : i32
    %sign3A_196 = arith.cmpi slt, %add3A_189, %sign3A_195 : i32
    %sign3A_197 = arith.extui %sign3A_196 : i1 to i32
    %sign3A_198 = arith.subi %sign3A_194, %sign3A_197 : i32
    %sign3A_199 = arith.constant 0 : i32
    %sign3A_200 = arith.cmpi sgt, %jit3A_190, %sign3A_199 : i32
    %sign3A_201 = arith.extui %sign3A_200 : i1 to i32
    %sign3A_202 = arith.constant 0 : i32
    %sign3A_203 = arith.cmpi slt, %jit3A_190, %sign3A_202 : i32
    %sign3A_204 = arith.extui %sign3A_203 : i1 to i32
    %sign3A_205 = arith.subi %sign3A_201, %sign3A_204 : i32
    %ne3A_206 = arith.cmpi ne, %sign3A_198, %sign3A_205 : i32
    %rem3A_207 = arith.remsi %add3A_189, %jit3A_190 : i32
    %ne3A_208 = arith.constant 0 : i32
    %ne3A_209 = arith.cmpi ne, %rem3A_207, %ne3A_208 : i32
    %and3A_210 = arith.andi %ne3A_206, %ne3A_209 : i1
    %sub3A_211 = arith.constant 1 : i32
    %sub3A_212 = arith.subi %div3A_191, %sub3A_211 : i32
    %select_n3A_213 = arith.select %and3A_210, %sub3A_212, %div3A_191 : i32
    %add3A_214 = arith.addi %add3A_185, %select_n3A_213 : i32
    %mul3A_215 = arith.constant 256 : i32
    %mul3A_216 = arith.muli %add3A_214, %mul3A_215 : i32
    %add3A_217 = arith.constant 255 : i32
    %add3A_218 = arith.addi %convert_element_type3A_63, %add3A_217 : i32
    %jit3A_219 = arith.constant 256 : i32
    %div3A_220 = arith.divsi %add3A_218, %jit3A_219 : i32
    %sign3A_221 = arith.constant 0 : i32
    %sign3A_222 = arith.cmpi sgt, %add3A_218, %sign3A_221 : i32
    %sign3A_223 = arith.extui %sign3A_222 : i1 to i32
    %sign3A_224 = arith.constant 0 : i32
    %sign3A_225 = arith.cmpi slt, %add3A_218, %sign3A_224 : i32
    %sign3A_226 = arith.extui %sign3A_225 : i1 to i32
    %sign3A_227 = arith.subi %sign3A_223, %sign3A_226 : i32
    %sign3A_228 = arith.constant 0 : i32
    %sign3A_229 = arith.cmpi sgt, %jit3A_219, %sign3A_228 : i32
    %sign3A_230 = arith.extui %sign3A_229 : i1 to i32
    %sign3A_231 = arith.constant 0 : i32
    %sign3A_232 = arith.cmpi slt, %jit3A_219, %sign3A_231 : i32
    %sign3A_233 = arith.extui %sign3A_232 : i1 to i32
    %sign3A_234 = arith.subi %sign3A_230, %sign3A_233 : i32
    %ne3A_235 = arith.cmpi ne, %sign3A_227, %sign3A_234 : i32
    %rem3A_236 = arith.remsi %add3A_218, %jit3A_219 : i32
    %ne3A_237 = arith.constant 0 : i32
    %ne3A_238 = arith.cmpi ne, %rem3A_236, %ne3A_237 : i32
    %and3A_239 = arith.andi %ne3A_235, %ne3A_238 : i1
    %sub3A_240 = arith.constant 1 : i32
    %sub3A_241 = arith.subi %div3A_220, %sub3A_240 : i32
    %select_n3A_242 = arith.select %and3A_239, %sub3A_241, %div3A_220 : i32
    %add3A_243 = arith.addi %add3A_214, %select_n3A_242 : i32
    %mul3A_244 = arith.constant 256 : i32
    %mul3A_245 = arith.muli %add3A_243, %mul3A_244 : i32
    %add3A_246 = arith.constant 255 : i32
    %add3A_247 = arith.addi %convert_element_type3A_83, %add3A_246 : i32
    %jit3A_248 = arith.constant 256 : i32
    %div3A_249 = arith.divsi %add3A_247, %jit3A_248 : i32
    %sign3A_250 = arith.constant 0 : i32
    %sign3A_251 = arith.cmpi sgt, %add3A_247, %sign3A_250 : i32
    %sign3A_252 = arith.extui %sign3A_251 : i1 to i32
    %sign3A_253 = arith.constant 0 : i32
    %sign3A_254 = arith.cmpi slt, %add3A_247, %sign3A_253 : i32
    %sign3A_255 = arith.extui %sign3A_254 : i1 to i32
    %sign3A_256 = arith.subi %sign3A_252, %sign3A_255 : i32
    %sign3A_257 = arith.constant 0 : i32
    %sign3A_258 = arith.cmpi sgt, %jit3A_248, %sign3A_257 : i32
    %sign3A_259 = arith.extui %sign3A_258 : i1 to i32
    %sign3A_260 = arith.constant 0 : i32
    %sign3A_261 = arith.cmpi slt, %jit3A_248, %sign3A_260 : i32
    %sign3A_262 = arith.extui %sign3A_261 : i1 to i32
    %sign3A_263 = arith.subi %sign3A_259, %sign3A_262 : i32
    %ne3A_264 = arith.cmpi ne, %sign3A_256, %sign3A_263 : i32
    %rem3A_265 = arith.remsi %add3A_247, %jit3A_248 : i32
    %ne3A_266 = arith.constant 0 : i32
    %ne3A_267 = arith.cmpi ne, %rem3A_265, %ne3A_266 : i32
    %and3A_268 = arith.andi %ne3A_264, %ne3A_267 : i1
    %sub3A_269 = arith.constant 1 : i32
    %sub3A_270 = arith.subi %div3A_249, %sub3A_269 : i32
    %select_n3A_271 = arith.select %and3A_268, %sub3A_270, %div3A_249 : i32
    %add3A_272 = arith.addi %add3A_243, %select_n3A_271 : i32
    %mul3A_273 = arith.constant 256 : i32
    %mul3A_274 = arith.muli %add3A_272, %mul3A_273 : i32
    %add3A_275 = arith.constant 255 : i32
    %add3A_276 = arith.addi %convert_element_type3A_103, %add3A_275 : i32
    %jit3A_277 = arith.constant 256 : i32
    %div3A_278 = arith.divsi %add3A_276, %jit3A_277 : i32
    %sign3A_279 = arith.constant 0 : i32
    %sign3A_280 = arith.cmpi sgt, %add3A_276, %sign3A_279 : i32
    %sign3A_281 = arith.extui %sign3A_280 : i1 to i32
    %sign3A_282 = arith.constant 0 : i32
    %sign3A_283 = arith.cmpi slt, %add3A_276, %sign3A_282 : i32
    %sign3A_284 = arith.extui %sign3A_283 : i1 to i32
    %sign3A_285 = arith.subi %sign3A_281, %sign3A_284 : i32
    %sign3A_286 = arith.constant 0 : i32
    %sign3A_287 = arith.cmpi sgt, %jit3A_277, %sign3A_286 : i32
    %sign3A_288 = arith.extui %sign3A_287 : i1 to i32
    %sign3A_289 = arith.constant 0 : i32
    %sign3A_290 = arith.cmpi slt, %jit3A_277, %sign3A_289 : i32
    %sign3A_291 = arith.extui %sign3A_290 : i1 to i32
    %sign3A_292 = arith.subi %sign3A_288, %sign3A_291 : i32
    %ne3A_293 = arith.cmpi ne, %sign3A_285, %sign3A_292 : i32
    %rem3A_294 = arith.remsi %add3A_276, %jit3A_277 : i32
    %ne3A_295 = arith.constant 0 : i32
    %ne3A_296 = arith.cmpi ne, %rem3A_294, %ne3A_295 : i32
    %and3A_297 = arith.andi %ne3A_293, %ne3A_296 : i1
    %sub3A_298 = arith.constant 1 : i32
    %sub3A_299 = arith.subi %div3A_278, %sub3A_298 : i32
    %select_n3A_300 = arith.select %and3A_297, %sub3A_299, %div3A_278 : i32
    %add3A_301 = arith.addi %add3A_272, %select_n3A_300 : i32
    %mul3A_302 = arith.constant 256 : i32
    %mul3A_303 = arith.muli %add3A_301, %mul3A_302 : i32
    %add3A_304 = arith.constant 255 : i32
    %add3A_305 = arith.addi %convert_element_type3A_123, %add3A_304 : i32
    %jit3A_306 = arith.constant 256 : i32
    %div3A_307 = arith.divsi %add3A_305, %jit3A_306 : i32
    %sign3A_308 = arith.constant 0 : i32
    %sign3A_309 = arith.cmpi sgt, %add3A_305, %sign3A_308 : i32
    %sign3A_310 = arith.extui %sign3A_309 : i1 to i32
    %sign3A_311 = arith.constant 0 : i32
    %sign3A_312 = arith.cmpi slt, %add3A_305, %sign3A_311 : i32
    %sign3A_313 = arith.extui %sign3A_312 : i1 to i32
    %sign3A_314 = arith.subi %sign3A_310, %sign3A_313 : i32
    %sign3A_315 = arith.constant 0 : i32
    %sign3A_316 = arith.cmpi sgt, %jit3A_306, %sign3A_315 : i32
    %sign3A_317 = arith.extui %sign3A_316 : i1 to i32
    %sign3A_318 = arith.constant 0 : i32
    %sign3A_319 = arith.cmpi slt, %jit3A_306, %sign3A_318 : i32
    %sign3A_320 = arith.extui %sign3A_319 : i1 to i32
    %sign3A_321 = arith.subi %sign3A_317, %sign3A_320 : i32
    %ne3A_322 = arith.cmpi ne, %sign3A_314, %sign3A_321 : i32
    %rem3A_323 = arith.remsi %add3A_305, %jit3A_306 : i32
    %ne3A_324 = arith.constant 0 : i32
    %ne3A_325 = arith.cmpi ne, %rem3A_323, %ne3A_324 : i32
    %and3A_326 = arith.andi %ne3A_322, %ne3A_325 : i1
    %sub3A_327 = arith.constant 1 : i32
    %sub3A_328 = arith.subi %div3A_307, %sub3A_327 : i32
    %select_n3A_329 = arith.select %and3A_326, %sub3A_328, %div3A_307 : i32
    %add3A_330 = arith.addi %add3A_301, %select_n3A_329 : i32
    %mul3A_331 = arith.constant 256 : i32
    %mul3A_332 = arith.muli %add3A_330, %mul3A_331 : i32
    %add3A_333 = arith.constant 255 : i32
    %add3A_334 = arith.addi %convert_element_type3A_143, %add3A_333 : i32
    %jit3A_335 = arith.constant 256 : i32
    %div3A_336 = arith.divsi %add3A_334, %jit3A_335 : i32
    %sign3A_337 = arith.constant 0 : i32
    %sign3A_338 = arith.cmpi sgt, %add3A_334, %sign3A_337 : i32
    %sign3A_339 = arith.extui %sign3A_338 : i1 to i32
    %sign3A_340 = arith.constant 0 : i32
    %sign3A_341 = arith.cmpi slt, %add3A_334, %sign3A_340 : i32
    %sign3A_342 = arith.extui %sign3A_341 : i1 to i32
    %sign3A_343 = arith.subi %sign3A_339, %sign3A_342 : i32
    %sign3A_344 = arith.constant 0 : i32
    %sign3A_345 = arith.cmpi sgt, %jit3A_335, %sign3A_344 : i32
    %sign3A_346 = arith.extui %sign3A_345 : i1 to i32
    %sign3A_347 = arith.constant 0 : i32
    %sign3A_348 = arith.cmpi slt, %jit3A_335, %sign3A_347 : i32
    %sign3A_349 = arith.extui %sign3A_348 : i1 to i32
    %sign3A_350 = arith.subi %sign3A_346, %sign3A_349 : i32
    %ne3A_351 = arith.cmpi ne, %sign3A_343, %sign3A_350 : i32
    %rem3A_352 = arith.remsi %add3A_334, %jit3A_335 : i32
    %ne3A_353 = arith.constant 0 : i32
    %ne3A_354 = arith.cmpi ne, %rem3A_352, %ne3A_353 : i32
    %and3A_355 = arith.andi %ne3A_351, %ne3A_354 : i1
    %sub3A_356 = arith.constant 1 : i32
    %sub3A_357 = arith.subi %div3A_336, %sub3A_356 : i32
    %select_n3A_358 = arith.select %and3A_355, %sub3A_357, %div3A_336 : i32
    %add3A_359 = arith.addi %add3A_330, %select_n3A_358 : i32
    %mul3A_360 = arith.constant 256 : i32
    %mul3A_361 = arith.muli %add3A_359, %mul3A_360 : i32
    %add3A_362 = arith.constant 255 : i32
    %add3A_363 = arith.addi %convert_element_type3A_163, %add3A_362 : i32
    %jit3A_364 = arith.constant 256 : i32
    %div3A_365 = arith.divsi %add3A_363, %jit3A_364 : i32
    %sign3A_366 = arith.constant 0 : i32
    %sign3A_367 = arith.cmpi sgt, %add3A_363, %sign3A_366 : i32
    %sign3A_368 = arith.extui %sign3A_367 : i1 to i32
    %sign3A_369 = arith.constant 0 : i32
    %sign3A_370 = arith.cmpi slt, %add3A_363, %sign3A_369 : i32
    %sign3A_371 = arith.extui %sign3A_370 : i1 to i32
    %sign3A_372 = arith.subi %sign3A_368, %sign3A_371 : i32
    %sign3A_373 = arith.constant 0 : i32
    %sign3A_374 = arith.cmpi sgt, %jit3A_364, %sign3A_373 : i32
    %sign3A_375 = arith.extui %sign3A_374 : i1 to i32
    %sign3A_376 = arith.constant 0 : i32
    %sign3A_377 = arith.cmpi slt, %jit3A_364, %sign3A_376 : i32
    %sign3A_378 = arith.extui %sign3A_377 : i1 to i32
    %sign3A_379 = arith.subi %sign3A_375, %sign3A_378 : i32
    %ne3A_380 = arith.cmpi ne, %sign3A_372, %sign3A_379 : i32
    %rem3A_381 = arith.remsi %add3A_363, %jit3A_364 : i32
    %ne3A_382 = arith.constant 0 : i32
    %ne3A_383 = arith.cmpi ne, %rem3A_381, %ne3A_382 : i32
    %and3A_384 = arith.andi %ne3A_380, %ne3A_383 : i1
    %sub3A_385 = arith.constant 1 : i32
    %sub3A_386 = arith.subi %div3A_365, %sub3A_385 : i32
    %select_n3A_387 = arith.select %and3A_384, %sub3A_386, %div3A_365 : i32
    %add3A_388 = arith.addi %add3A_359, %select_n3A_387 : i32
    %broadcast_in_dim3A_389 = arith.constant 0.000000e+00 : f32
    %broadcast_in_dim3A_390 = vector.broadcast %broadcast_in_dim3A_389 : f32 to vector<16x128xf32>
    %convert_element_type3A_391 = arith.sitofp %mul3A_165 : i32 to f32
    %add3A_392 = vector.broadcast %convert_element_type3A_391 : f32 to vector<16x128xf32>
    %add3A_393 = arith.addf %add3A_17, %add3A_392 : vector<16x128xf32>
    %mul3A_394 = arith.mulf %convert_element_type3A_12, %add3A_393 : vector<16x128xf32>
    %add3A_395 = arith.addf %broadcast_in_dim3A_390, %mul3A_394 : vector<16x128xf32>
    %convert_element_type3A_396 = arith.sitofp %mul3A_187 : i32 to f32
    %add3A_397 = vector.broadcast %convert_element_type3A_396 : f32 to vector<16x128xf32>
    %add3A_398 = arith.addf %add3A_37, %add3A_397 : vector<16x128xf32>
    %mul3A_399 = arith.mulf %convert_element_type3A_28, %add3A_398 : vector<16x128xf32>
    %add3A_400 = arith.addf %add3A_395, %mul3A_399 : vector<16x128xf32>
    %convert_element_type3A_401 = arith.sitofp %mul3A_216 : i32 to f32
    %add3A_402 = vector.broadcast %convert_element_type3A_401 : f32 to vector<16x128xf32>
    %add3A_403 = arith.addf %add3A_57, %add3A_402 : vector<16x128xf32>
    %mul3A_404 = arith.mulf %convert_element_type3A_48, %add3A_403 : vector<16x128xf32>
    %add3A_405 = arith.addf %add3A_400, %mul3A_404 : vector<16x128xf32>
    %convert_element_type3A_406 = arith.sitofp %mul3A_245 : i32 to f32
    %add3A_407 = vector.broadcast %convert_element_type3A_406 : f32 to vector<16x128xf32>
    %add3A_408 = arith.addf %add3A_77, %add3A_407 : vector<16x128xf32>
    %mul3A_409 = arith.mulf %convert_element_type3A_68, %add3A_408 : vector<16x128xf32>
    %add3A_410 = arith.addf %add3A_405, %mul3A_409 : vector<16x128xf32>
    %convert_element_type3A_411 = arith.sitofp %mul3A_274 : i32 to f32
    %add3A_412 = vector.broadcast %convert_element_type3A_411 : f32 to vector<16x128xf32>
    %add3A_413 = arith.addf %add3A_97, %add3A_412 : vector<16x128xf32>
    %mul3A_414 = arith.mulf %convert_element_type3A_88, %add3A_413 : vector<16x128xf32>
    %add3A_415 = arith.addf %add3A_410, %mul3A_414 : vector<16x128xf32>
    %convert_element_type3A_416 = arith.sitofp %mul3A_303 : i32 to f32
    %add3A_417 = vector.broadcast %convert_element_type3A_416 : f32 to vector<16x128xf32>
    %add3A_418 = arith.addf %add3A_117, %add3A_417 : vector<16x128xf32>
    %mul3A_419 = arith.mulf %convert_element_type3A_108, %add3A_418 : vector<16x128xf32>
    %add3A_420 = arith.addf %add3A_415, %mul3A_419 : vector<16x128xf32>
    %convert_element_type3A_421 = arith.sitofp %mul3A_332 : i32 to f32
    %add3A_422 = vector.broadcast %convert_element_type3A_421 : f32 to vector<16x128xf32>
    %add3A_423 = arith.addf %add3A_137, %add3A_422 : vector<16x128xf32>
    %mul3A_424 = arith.mulf %convert_element_type3A_128, %add3A_423 : vector<16x128xf32>
    %add3A_425 = arith.addf %add3A_420, %mul3A_424 : vector<16x128xf32>
    %convert_element_type3A_426 = arith.sitofp %mul3A_361 : i32 to f32
    %add3A_427 = vector.broadcast %convert_element_type3A_426 : f32 to vector<16x128xf32>
    %add3A_428 = arith.addf %add3A_157, %add3A_427 : vector<16x128xf32>
    %mul3A_429 = arith.mulf %convert_element_type3A_148, %add3A_428 : vector<16x128xf32>
    %add3A_430 = arith.addf %add3A_425, %mul3A_429 : vector<16x128xf32>
    %convert_element_type3A_431 = arith.fptosi %add3A_430 : vector<16x128xf32> to vector<16x128xi32>
    %swap3A = arith.constant 0 : index
    %swap3A_432 = arith.constant 0 : index
    %swap3A_433 = vector.load %arg1[%swap3A, %swap3A_432] : memref<16x128xi32, #tpu.memory_space<vmem>>, vector<16x128xi32>
    tpu.vector_store %arg1[%swap3A, %swap3A_432], %convert_element_type3A_431 {strides = array<i32>} : memref<16x128xi32, #tpu.memory_space<vmem>>, vector<16x128xi32>,
    %iota3A_434 = tpu.iota {dimensions = array<i32: 1>} : vector<8x128xi32>
    %broadcast_in_dim3A_435 = arith.constant 0 : i32
    %broadcast_in_dim3A_436 = vector.broadcast %broadcast_in_dim3A_435 : i32 to vector<8x128xi32>
    %ge3A = vector.broadcast %add3A_185 : i32 to vector<8x128xi32>
    %ge3A_437 = arith.cmpi sge, %iota3A_434, %ge3A : vector<8x128xi32>
    %convert_element_type3A_438 = arith.extui %ge3A_437 : vector<8x128xi1> to vector<8x128xi32>
    %add3A_439 = arith.addi %broadcast_in_dim3A_436, %convert_element_type3A_438 : vector<8x128xi32>
    %ge3A_440 = vector.broadcast %add3A_214 : i32 to vector<8x128xi32>
    %ge3A_441 = arith.cmpi sge, %iota3A_434, %ge3A_440 : vector<8x128xi32>
    %convert_element_type3A_442 = arith.extui %ge3A_441 : vector<8x128xi1> to vector<8x128xi32>
    %add3A_443 = arith.addi %add3A_439, %convert_element_type3A_442 : vector<8x128xi32>
    %ge3A_444 = vector.broadcast %add3A_243 : i32 to vector<8x128xi32>
    %ge3A_445 = arith.cmpi sge, %iota3A_434, %ge3A_444 : vector<8x128xi32>
    %convert_element_type3A_446 = arith.extui %ge3A_445 : vector<8x128xi1> to vector<8x128xi32>
    %add3A_447 = arith.addi %add3A_443, %convert_element_type3A_446 : vector<8x128xi32>
    %ge3A_448 = vector.broadcast %add3A_272 : i32 to vector<8x128xi32>
    %ge3A_449 = arith.cmpi sge, %iota3A_434, %ge3A_448 : vector<8x128xi32>
    %convert_element_type3A_450 = arith.extui %ge3A_449 : vector<8x128xi1> to vector<8x128xi32>
    %add3A_451 = arith.addi %add3A_447, %convert_element_type3A_450 : vector<8x128xi32>
    %ge3A_452 = vector.broadcast %add3A_301 : i32 to vector<8x128xi32>
    %ge3A_453 = arith.cmpi sge, %iota3A_434, %ge3A_452 : vector<8x128xi32>
    %convert_element_type3A_454 = arith.extui %ge3A_453 : vector<8x128xi1> to vector<8x128xi32>
    %add3A_455 = arith.addi %add3A_451, %convert_element_type3A_454 : vector<8x128xi32>
    %ge3A_456 = vector.broadcast %add3A_330 : i32 to vector<8x128xi32>
    %ge3A_457 = arith.cmpi sge, %iota3A_434, %ge3A_456 : vector<8x128xi32>
    %convert_element_type3A_458 = arith.extui %ge3A_457 : vector<8x128xi1> to vector<8x128xi32>
    %add3A_459 = arith.addi %add3A_455, %convert_element_type3A_458 : vector<8x128xi32>
    %ge3A_460 = vector.broadcast %add3A_359 : i32 to vector<8x128xi32>
    %ge3A_461 = arith.cmpi sge, %iota3A_434, %ge3A_460 : vector<8x128xi32>
    %convert_element_type3A_462 = arith.extui %ge3A_461 : vector<8x128xi1> to vector<8x128xi32>
    %add3A_463 = arith.addi %add3A_459, %convert_element_type3A_462 : vector<8x128xi32>
    %ge3A_464 = vector.broadcast %add3A_388 : i32 to vector<8x128xi32>
    %ge3A_465 = arith.cmpi sge, %iota3A_434, %ge3A_464 : vector<8x128xi32>
    %convert_element_type3A_466 = arith.extui %ge3A_465 : vector<8x128xi1> to vector<8x128xi32>
    %add3A_467 = arith.addi %add3A_463, %convert_element_type3A_466 : vector<8x128xi32>
    %lt3A_468 = arith.constant 16 : i32
    %lt3A_469 = vector.broadcast %lt3A_468 : i32 to vector<8x128xi32>
    %lt3A_470 = arith.cmpi slt, %iota3A_434, %lt3A_469 : vector<8x128xi32>
    %min3A = arith.constant 7 : i32
    %min3A_471 = vector.broadcast %min3A : i32 to vector<8x128xi32>
    %min3A_472 = arith.minsi %add3A_467, %min3A_471 : vector<8x128xi32>
    %jit3A_473 = arith.constant 0 : i32
    %broadcast_in_dim3A_474 = vector.broadcast %jit3A_473 : i32 to vector<8x128xi32>
    %select_n3A_475 = arith.select %lt3A_470, %min3A_472, %broadcast_in_dim3A_474 : vector<8x128xi1>, vector<8x128xi32>
    %eq3A_476 = arith.constant 16 : i32
    %eq3A_477 = vector.broadcast %eq3A_476 : i32 to vector<8x128xi32>
    %eq3A_478 = arith.cmpi eq, %iota3A_434, %eq3A_477 : vector<8x128xi32>
    %jit3A_479 = arith.constant 0 : i32
    %broadcast_in_dim3A_480 = vector.broadcast %convert_element_type3A_23 : i32 to vector<8x128xi32>
    %broadcast_in_dim3A_481 = vector.broadcast %jit3A_479 : i32 to vector<8x128xi32>
    %select_n3A_482 = arith.select %eq3A_478, %broadcast_in_dim3A_480, %broadcast_in_dim3A_481 : vector<8x128xi1>, vector<8x128xi32>
    %add3A_483 = arith.addi %select_n3A_475, %select_n3A_482 : vector<8x128xi32>
    %eq3A_484 = arith.constant 24 : i32
    %eq3A_485 = vector.broadcast %eq3A_484 : i32 to vector<8x128xi32>
    %eq3A_486 = arith.cmpi eq, %iota3A_434, %eq3A_485 : vector<8x128xi32>
    %jit3A_487 = arith.constant 0 : i32
    %broadcast_in_dim3A_488 = vector.broadcast %mul3A_165 : i32 to vector<8x128xi32>
    %broadcast_in_dim3A_489 = vector.broadcast %jit3A_487 : i32 to vector<8x128xi32>
    %select_n3A_490 = arith.select %eq3A_486, %broadcast_in_dim3A_488, %broadcast_in_dim3A_489 : vector<8x128xi1>, vector<8x128xi32>
    %add3A_491 = arith.addi %add3A_483, %select_n3A_490 : vector<8x128xi32>
    %eq3A_492 = arith.constant 17 : i32
    %eq3A_493 = vector.broadcast %eq3A_492 : i32 to vector<8x128xi32>
    %eq3A_494 = arith.cmpi eq, %iota3A_434, %eq3A_493 : vector<8x128xi32>
    %jit3A_495 = arith.constant 0 : i32
    %broadcast_in_dim3A_496 = vector.broadcast %convert_element_type3A_43 : i32 to vector<8x128xi32>
    %broadcast_in_dim3A_497 = vector.broadcast %jit3A_495 : i32 to vector<8x128xi32>
    %select_n3A_498 = arith.select %eq3A_494, %broadcast_in_dim3A_496, %broadcast_in_dim3A_497 : vector<8x128xi1>, vector<8x128xi32>
    %add3A_499 = arith.addi %add3A_491, %select_n3A_498 : vector<8x128xi32>
    %eq3A_500 = arith.constant 25 : i32
    %eq3A_501 = vector.broadcast %eq3A_500 : i32 to vector<8x128xi32>
    %eq3A_502 = arith.cmpi eq, %iota3A_434, %eq3A_501 : vector<8x128xi32>
    %jit3A_503 = arith.constant 0 : i32
    %broadcast_in_dim3A_504 = vector.broadcast %mul3A_187 : i32 to vector<8x128xi32>
    %broadcast_in_dim3A_505 = vector.broadcast %jit3A_503 : i32 to vector<8x128xi32>
    %select_n3A_506 = arith.select %eq3A_502, %broadcast_in_dim3A_504, %broadcast_in_dim3A_505 : vector<8x128xi1>, vector<8x128xi32>
    %add3A_507 = arith.addi %add3A_499, %select_n3A_506 : vector<8x128xi32>
    %eq3A_508 = arith.constant 18 : i32
    %eq3A_509 = vector.broadcast %eq3A_508 : i32 to vector<8x128xi32>
    %eq3A_510 = arith.cmpi eq, %iota3A_434, %eq3A_509 : vector<8x128xi32>
    %jit3A_511 = arith.constant 0 : i32
    %broadcast_in_dim3A_512 = vector.broadcast %convert_element_type3A_63 : i32 to vector<8x128xi32>
    %broadcast_in_dim3A_513 = vector.broadcast %jit3A_511 : i32 to vector<8x128xi32>
    %select_n3A_514 = arith.select %eq3A_510, %broadcast_in_dim3A_512, %broadcast_in_dim3A_513 : vector<8x128xi1>, vector<8x128xi32>
    %add3A_515 = arith.addi %add3A_507, %select_n3A_514 : vector<8x128xi32>
    %eq3A_516 = arith.constant 26 : i32
    %eq3A_517 = vector.broadcast %eq3A_516 : i32 to vector<8x128xi32>
    %eq3A_518 = arith.cmpi eq, %iota3A_434, %eq3A_517 : vector<8x128xi32>
    %jit3A_519 = arith.constant 0 : i32
    %broadcast_in_dim3A_520 = vector.broadcast %mul3A_216 : i32 to vector<8x128xi32>
    %broadcast_in_dim3A_521 = vector.broadcast %jit3A_519 : i32 to vector<8x128xi32>
    %select_n3A_522 = arith.select %eq3A_518, %broadcast_in_dim3A_520, %broadcast_in_dim3A_521 : vector<8x128xi1>, vector<8x128xi32>
    %add3A_523 = arith.addi %add3A_515, %select_n3A_522 : vector<8x128xi32>
    %eq3A_524 = arith.constant 19 : i32
    %eq3A_525 = vector.broadcast %eq3A_524 : i32 to vector<8x128xi32>
    %eq3A_526 = arith.cmpi eq, %iota3A_434, %eq3A_525 : vector<8x128xi32>
    %jit3A_527 = arith.constant 0 : i32
    %broadcast_in_dim3A_528 = vector.broadcast %convert_element_type3A_83 : i32 to vector<8x128xi32>
    %broadcast_in_dim3A_529 = vector.broadcast %jit3A_527 : i32 to vector<8x128xi32>
    %select_n3A_530 = arith.select %eq3A_526, %broadcast_in_dim3A_528, %broadcast_in_dim3A_529 : vector<8x128xi1>, vector<8x128xi32>
    %add3A_531 = arith.addi %add3A_523, %select_n3A_530 : vector<8x128xi32>
    %eq3A_532 = arith.constant 27 : i32
    %eq3A_533 = vector.broadcast %eq3A_532 : i32 to vector<8x128xi32>
    %eq3A_534 = arith.cmpi eq, %iota3A_434, %eq3A_533 : vector<8x128xi32>
    %jit3A_535 = arith.constant 0 : i32
    %broadcast_in_dim3A_536 = vector.broadcast %mul3A_245 : i32 to vector<8x128xi32>
    %broadcast_in_dim3A_537 = vector.broadcast %jit3A_535 : i32 to vector<8x128xi32>
    %select_n3A_538 = arith.select %eq3A_534, %broadcast_in_dim3A_536, %broadcast_in_dim3A_537 : vector<8x128xi1>, vector<8x128xi32>
    %add3A_539 = arith.addi %add3A_531, %select_n3A_538 : vector<8x128xi32>
    %eq3A_540 = arith.constant 20 : i32
    %eq3A_541 = vector.broadcast %eq3A_540 : i32 to vector<8x128xi32>
    %eq3A_542 = arith.cmpi eq, %iota3A_434, %eq3A_541 : vector<8x128xi32>
    %jit3A_543 = arith.constant 0 : i32
    %broadcast_in_dim3A_544 = vector.broadcast %convert_element_type3A_103 : i32 to vector<8x128xi32>
    %broadcast_in_dim3A_545 = vector.broadcast %jit3A_543 : i32 to vector<8x128xi32>
    %select_n3A_546 = arith.select %eq3A_542, %broadcast_in_dim3A_544, %broadcast_in_dim3A_545 : vector<8x128xi1>, vector<8x128xi32>
    %add3A_547 = arith.addi %add3A_539, %select_n3A_546 : vector<8x128xi32>
    %eq3A_548 = arith.constant 28 : i32
    %eq3A_549 = vector.broadcast %eq3A_548 : i32 to vector<8x128xi32>
    %eq3A_550 = arith.cmpi eq, %iota3A_434, %eq3A_549 : vector<8x128xi32>
    %jit3A_551 = arith.constant 0 : i32
    %broadcast_in_dim3A_552 = vector.broadcast %mul3A_274 : i32 to vector<8x128xi32>
    %broadcast_in_dim3A_553 = vector.broadcast %jit3A_551 : i32 to vector<8x128xi32>
    %select_n3A_554 = arith.select %eq3A_550, %broadcast_in_dim3A_552, %broadcast_in_dim3A_553 : vector<8x128xi1>, vector<8x128xi32>
    %add3A_555 = arith.addi %add3A_547, %select_n3A_554 : vector<8x128xi32>
    %eq3A_556 = arith.constant 21 : i32
    %eq3A_557 = vector.broadcast %eq3A_556 : i32 to vector<8x128xi32>
    %eq3A_558 = arith.cmpi eq, %iota3A_434, %eq3A_557 : vector<8x128xi32>
    %jit3A_559 = arith.constant 0 : i32
    %broadcast_in_dim3A_560 = vector.broadcast %convert_element_type3A_123 : i32 to vector<8x128xi32>
    %broadcast_in_dim3A_561 = vector.broadcast %jit3A_559 : i32 to vector<8x128xi32>
    %select_n3A_562 = arith.select %eq3A_558, %broadcast_in_dim3A_560, %broadcast_in_dim3A_561 : vector<8x128xi1>, vector<8x128xi32>
    %add3A_563 = arith.addi %add3A_555, %select_n3A_562 : vector<8x128xi32>
    %eq3A_564 = arith.constant 29 : i32
    %eq3A_565 = vector.broadcast %eq3A_564 : i32 to vector<8x128xi32>
    %eq3A_566 = arith.cmpi eq, %iota3A_434, %eq3A_565 : vector<8x128xi32>
    %jit3A_567 = arith.constant 0 : i32
    %broadcast_in_dim3A_568 = vector.broadcast %mul3A_303 : i32 to vector<8x128xi32>
    %broadcast_in_dim3A_569 = vector.broadcast %jit3A_567 : i32 to vector<8x128xi32>
    %select_n3A_570 = arith.select %eq3A_566, %broadcast_in_dim3A_568, %broadcast_in_dim3A_569 : vector<8x128xi1>, vector<8x128xi32>
    %add3A_571 = arith.addi %add3A_563, %select_n3A_570 : vector<8x128xi32>
    %eq3A_572 = arith.constant 22 : i32
    %eq3A_573 = vector.broadcast %eq3A_572 : i32 to vector<8x128xi32>
    %eq3A_574 = arith.cmpi eq, %iota3A_434, %eq3A_573 : vector<8x128xi32>
    %jit3A_575 = arith.constant 0 : i32
    %broadcast_in_dim3A_576 = vector.broadcast %convert_element_type3A_143 : i32 to vector<8x128xi32>
    %broadcast_in_dim3A_577 = vector.broadcast %jit3A_575 : i32 to vector<8x128xi32>
    %select_n3A_578 = arith.select %eq3A_574, %broadcast_in_dim3A_576, %broadcast_in_dim3A_577 : vector<8x128xi1>, vector<8x128xi32>
    %add3A_579 = arith.addi %add3A_571, %select_n3A_578 : vector<8x128xi32>
    %eq3A_580 = arith.constant 30 : i32
    %eq3A_581 = vector.broadcast %eq3A_580 : i32 to vector<8x128xi32>
    %eq3A_582 = arith.cmpi eq, %iota3A_434, %eq3A_581 : vector<8x128xi32>
    %jit3A_583 = arith.constant 0 : i32
    %broadcast_in_dim3A_584 = vector.broadcast %mul3A_332 : i32 to vector<8x128xi32>
    %broadcast_in_dim3A_585 = vector.broadcast %jit3A_583 : i32 to vector<8x128xi32>
    %select_n3A_586 = arith.select %eq3A_582, %broadcast_in_dim3A_584, %broadcast_in_dim3A_585 : vector<8x128xi1>, vector<8x128xi32>
    %add3A_587 = arith.addi %add3A_579, %select_n3A_586 : vector<8x128xi32>
    %eq3A_588 = arith.constant 23 : i32
    %eq3A_589 = vector.broadcast %eq3A_588 : i32 to vector<8x128xi32>
    %eq3A_590 = arith.cmpi eq, %iota3A_434, %eq3A_589 : vector<8x128xi32>
    %jit3A_591 = arith.constant 0 : i32
    %broadcast_in_dim3A_592 = vector.broadcast %convert_element_type3A_163 : i32 to vector<8x128xi32>
    %broadcast_in_dim3A_593 = vector.broadcast %jit3A_591 : i32 to vector<8x128xi32>
    %select_n3A_594 = arith.select %eq3A_590, %broadcast_in_dim3A_592, %broadcast_in_dim3A_593 : vector<8x128xi1>, vector<8x128xi32>
    %add3A_595 = arith.addi %add3A_587, %select_n3A_594 : vector<8x128xi32>
    %eq3A_596 = arith.constant 31 : i32
    %eq3A_597 = vector.broadcast %eq3A_596 : i32 to vector<8x128xi32>
    %eq3A_598 = arith.cmpi eq, %iota3A_434, %eq3A_597 : vector<8x128xi32>
    %jit3A_599 = arith.constant 0 : i32
    %broadcast_in_dim3A_600 = vector.broadcast %mul3A_361 : i32 to vector<8x128xi32>
    %broadcast_in_dim3A_601 = vector.broadcast %jit3A_599 : i32 to vector<8x128xi32>
    %select_n3A_602 = arith.select %eq3A_598, %broadcast_in_dim3A_600, %broadcast_in_dim3A_601 : vector<8x128xi1>, vector<8x128xi32>
    %add3A_603 = arith.addi %add3A_595, %select_n3A_602 : vector<8x128xi32>
    %eq3A_604 = arith.constant 32 : i32
    %eq3A_605 = vector.broadcast %eq3A_604 : i32 to vector<8x128xi32>
    %eq3A_606 = arith.cmpi eq, %iota3A_434, %eq3A_605 : vector<8x128xi32>
    %jit3A_607 = arith.constant 0 : i32
    %broadcast_in_dim3A_608 = vector.broadcast %add3A_388 : i32 to vector<8x128xi32>
    %broadcast_in_dim3A_609 = vector.broadcast %jit3A_607 : i32 to vector<8x128xi32>
    %select_n3A_610 = arith.select %eq3A_606, %broadcast_in_dim3A_608, %broadcast_in_dim3A_609 : vector<8x128xi1>, vector<8x128xi32>
    %add3A_611 = arith.addi %add3A_603, %select_n3A_610 : vector<8x128xi32>
    %swap3A_612 = arith.constant 0 : index
    %swap3A_613 = arith.constant 0 : index
    %swap3A_614 = vector.load %arg2[%swap3A_612, %swap3A_613] : memref<8x128xi32, #tpu.memory_space<vmem>>, vector<8x128xi32>
    tpu.vector_store %arg2[%swap3A_612, %swap3A_613], %add3A_611 {strides = array<i32>} : memref<8x128xi32, #tpu.memory_space<vmem>>, vector<8x128xi32>,
    return
  }
}

module attributes {stable_mosaic.version = 14 : i64} {
  func.func @_main_body(%arg0: i32, %arg1: memref<8x128xi32, #tpu.memory_space<smem>>, %arg2: memref<256x1024xf32, #tpu.memory_space<vmem>>, %arg3: memref<1x1024x1024xf32, #tpu.memory_space<vmem>>, %arg4: memref<8x1024xf32, #tpu.memory_space<vmem>>, %arg5: memref<512x1024xf32, #tpu.memory_space<vmem>>, %arg6: memref<1024x1024xf32, #tpu.memory_space<vmem>>, %arg7: memref<1x1024xf32, #tpu.memory_space<vmem>>, %arg8: memref<256x1024xf32, #tpu.memory_space<vmem>>, %arg9: memref<1xf32, #tpu.memory_space<smem>>, %arg10: memref<1xf32, #tpu.memory_space<smem>>, %arg11: memref<8xf32, #tpu.memory_space<smem>>, %arg12: memref<1x512xf32, #tpu.memory_space<vmem>>) attributes {dimension_semantics = [#tpu.dimension_semantics<arbitrary>], iteration_bounds = array<i64: 16>, scalar_prefetch = 1 : i64, scratch_operands = 3 : i64, tpu.core_type = #tpu.core_type<tc>, window_params = [{transform_indices = @transform_0, window_bounds = array<i64: 256, 1024>}, {transform_indices = @transform_1, window_bounds = array<i64: 1, 1024, 1024>}, {pipeline_mode = #tpu.pipeline_mode<synchronous>, transform_indices = @transform_2, window_bounds = array<i64: 8, 1024>}, {pipeline_mode = #tpu.pipeline_mode<synchronous>, transform_indices = @transform_3, window_bounds = array<i64: 512, 1024>}, {pipeline_mode = #tpu.pipeline_mode<synchronous>, transform_indices = @transform_4, window_bounds = array<i64: 1024, 1024>}, {pipeline_mode = #tpu.pipeline_mode<synchronous>, transform_indices = @transform_5, window_bounds = array<i64: 1, 1024>}, {transform_indices = @transform_6, window_bounds = array<i64: 256, 1024>}, {transform_indices = @transform_7, window_bounds = array<i64: 1>}]} {
    %get3A = arith.constant 0 : index
    %get3A_0 = arith.constant 32 : index
    %get3A_1 = memref.load %arg1[%get3A, %get3A_0] : memref<8x128xi32, #tpu.memory_space<smem>>
    %eq3A = arith.constant 0 : i32
    %eq3A_2 = arith.cmpi eq, %arg0, %eq3A : i32
    %convert_element_type3A = arith.extui %eq3A_2 : i1 to i32
    %cond3A = arith.constant 0 : i32
    %cond3A_3 = arith.cmpi ne, %convert_element_type3A, %cond3A : i32
    scf.if %cond3A_3 {
      %swap3A = arith.constant 0.000000e+00 : f32
      %swap3A_12 = arith.constant 0 : index
      %swap3A_13 = memref.load %arg10[%swap3A_12] : memref<1xf32, #tpu.memory_space<smem>>
      memref.store %swap3A, %arg10[%swap3A_12] : memref<1xf32, #tpu.memory_space<smem>>
      %swap3A_14 = arith.constant 0.000000e+00 : f32
      %swap3A_15 = arith.constant 0 : index
      %swap3A_16 = memref.load %arg11[%swap3A_15] : memref<8xf32, #tpu.memory_space<smem>>
      memref.store %swap3A_14, %arg11[%swap3A_15] : memref<8xf32, #tpu.memory_space<smem>>
      %swap3A_17 = arith.constant 0.000000e+00 : f32
      %swap3A_18 = arith.constant 1 : index
      %swap3A_19 = memref.load %arg11[%swap3A_18] : memref<8xf32, #tpu.memory_space<smem>>
      memref.store %swap3A_17, %arg11[%swap3A_18] : memref<8xf32, #tpu.memory_space<smem>>
      %swap3A_20 = arith.constant 0.000000e+00 : f32
      %swap3A_21 = arith.constant 2 : index
      %swap3A_22 = memref.load %arg11[%swap3A_21] : memref<8xf32, #tpu.memory_space<smem>>
      memref.store %swap3A_20, %arg11[%swap3A_21] : memref<8xf32, #tpu.memory_space<smem>>
      %swap3A_23 = arith.constant 0.000000e+00 : f32
      %swap3A_24 = arith.constant 3 : index
      %swap3A_25 = memref.load %arg11[%swap3A_24] : memref<8xf32, #tpu.memory_space<smem>>
      memref.store %swap3A_23, %arg11[%swap3A_24] : memref<8xf32, #tpu.memory_space<smem>>
      %swap3A_26 = arith.constant 0.000000e+00 : f32
      %swap3A_27 = arith.constant 4 : index
      %swap3A_28 = memref.load %arg11[%swap3A_27] : memref<8xf32, #tpu.memory_space<smem>>
      memref.store %swap3A_26, %arg11[%swap3A_27] : memref<8xf32, #tpu.memory_space<smem>>
      %swap3A_29 = arith.constant 0.000000e+00 : f32
      %swap3A_30 = arith.constant 5 : index
      %swap3A_31 = memref.load %arg11[%swap3A_30] : memref<8xf32, #tpu.memory_space<smem>>
      memref.store %swap3A_29, %arg11[%swap3A_30] : memref<8xf32, #tpu.memory_space<smem>>
      %swap3A_32 = arith.constant 0.000000e+00 : f32
      %swap3A_33 = arith.constant 6 : index
      %swap3A_34 = memref.load %arg11[%swap3A_33] : memref<8xf32, #tpu.memory_space<smem>>
      memref.store %swap3A_32, %arg11[%swap3A_33] : memref<8xf32, #tpu.memory_space<smem>>
      %swap3A_35 = arith.constant 0.000000e+00 : f32
      %swap3A_36 = arith.constant 7 : index
      %swap3A_37 = memref.load %arg11[%swap3A_36] : memref<8xf32, #tpu.memory_space<smem>>
      memref.store %swap3A_35, %arg11[%swap3A_36] : memref<8xf32, #tpu.memory_space<smem>>
      %get3A_38 = arith.constant 0 : index
      %get3A_39 = arith.constant 0 : index
      %get3A_40 = vector.load %arg5[%get3A_38, %get3A_39] : memref<512x1024xf32, #tpu.memory_space<vmem>>, vector<512x1024xf32>
      %mul3A = arith.mulf %get3A_40, %get3A_40 : vector<512x1024xf32>
      %reduce_sum3A = arith.constant dense<0.000000e+00> : vector<512xf32>
      %reduce_sum3A_41 = vector.multi_reduction <add>, %mul3A, %reduce_sum3A [1] : vector<512x1024xf32> to vector<512xf32>
      %broadcast_in_dim3A = vector.shape_cast %reduce_sum3A_41 : vector<512xf32> to vector<1x512xf32>
      %swap3A_42 = arith.constant 0 : index
      %swap3A_43 = arith.constant 0 : index
      %swap3A_44 = vector.load %arg12[%swap3A_42, %swap3A_43] : memref<1x512xf32, #tpu.memory_space<vmem>>, vector<1x512xf32>
      tpu.vector_store %arg12[%swap3A_42, %swap3A_43], %broadcast_in_dim3A {strides = array<i32>} : memref<1x512xf32, #tpu.memory_space<vmem>>, vector<1x512xf32>,
    } else {
    }
    %lt3A = arith.cmpi slt, %arg0, %get3A_1 : i32
    %convert_element_type3A_4 = arith.extui %lt3A : i1 to i32
    %cond3A_5 = arith.constant 0 : i32
    %cond3A_6 = arith.cmpi ne, %convert_element_type3A_4, %cond3A_5 : i32
    scf.if %cond3A_6 {
      %get3A_12 = arith.constant 0 : index
      %get3A_13 = arith.index_cast %arg0 : i32 to index
      %get3A_14 = memref.load %arg1[%get3A_12, %get3A_13] : memref<8x128xi32, #tpu.memory_space<smem>>
      %get3A_15 = arith.constant 0 : index
      %get3A_16 = arith.constant 0 : index
      %get3A_17 = vector.load %arg2[%get3A_15, %get3A_16] : memref<256x1024xf32, #tpu.memory_space<vmem>>, vector<256x1024xf32>
      %get3A_18 = arith.constant 0 : index
      %get3A_19 = arith.constant 0 : index
      %get3A_20 = arith.constant 0 : index
      %get3A_21 = vector.load %arg3[%get3A_18, %get3A_19, %get3A_20] : memref<1x1024x1024xf32, #tpu.memory_space<vmem>>, vector<1x1024x1024xf32>
      %get3A_22 = vector.shape_cast %get3A_21 : vector<1x1024x1024xf32> to vector<1024x1024xf32>
      %dot_general3A = arith.constant dense<0.000000e+00> : vector<256x1024xf32>
      %dot_general3A_23 = tpu.matmul %get3A_17, %get3A_22, %dot_general3A {dimension_numbers = #tpu.dot_dimension_numbers<[1], [0], [0], [1], [0, 0, 1, 1], [], []>, transpose_lhs_hint = false} : vector<256x1024xf32>, vector<1024x1024xf32>, vector<256x1024xf32> -> vector<256x1024xf32>
      %get3A_24 = arith.index_cast %get3A_14 : i32 to index
      %get3A_25 = arith.constant 0 : index
      %get3A_26 = vector.load %arg4[%get3A_24, %get3A_25] : memref<8x1024xf32, #tpu.memory_space<vmem>>, vector<1x1024xf32>
      %add3A = vector.broadcast %get3A_26 : vector<1x1024xf32> to vector<256x1024xf32>
      %add3A_27 = arith.addf %dot_general3A_23, %add3A : vector<256x1024xf32>
      %get3A_28 = arith.constant 0 : index
      %get3A_29 = arith.constant 0 : index
      %get3A_30 = vector.load %arg5[%get3A_28, %get3A_29] : memref<512x1024xf32, #tpu.memory_space<vmem>>, vector<512x1024xf32>
      %mul3A = arith.mulf %add3A_27, %add3A_27 : vector<256x1024xf32>
      %reduce_sum3A = arith.constant dense<0.000000e+00> : vector<256xf32>
      %reduce_sum3A_31 = vector.multi_reduction <add>, %mul3A, %reduce_sum3A [1] : vector<256x1024xf32> to vector<256xf32>
      %broadcast_in_dim3A = vector.shape_cast %reduce_sum3A_31 : vector<256xf32> to vector<256x1xf32>
      %dot_general3A_32 = arith.constant dense<0.000000e+00> : vector<256x512xf32>
      %dot_general3A_33 = tpu.matmul %add3A_27, %get3A_30, %dot_general3A_32 {dimension_numbers = #tpu.dot_dimension_numbers<[1], [1], [0], [0], [0, 0, 1, 0], [], []>, transpose_lhs_hint = false} : vector<256x1024xf32>, vector<512x1024xf32>, vector<256x512xf32> -> vector<256x512xf32>
      %mul3A_34 = arith.constant 2.000000e+00 : f32
      %mul3A_35 = vector.broadcast %mul3A_34 : f32 to vector<256x512xf32>
      %mul3A_36 = arith.mulf %mul3A_35, %dot_general3A_33 : vector<256x512xf32>
      %sub3A = vector.broadcast %broadcast_in_dim3A : vector<256x1xf32> to vector<256x512xf32>
      %sub3A_37 = arith.subf %sub3A, %mul3A_36 : vector<256x512xf32>
      %get3A_38 = arith.constant 0 : index
      %get3A_39 = arith.constant 0 : index
      %get3A_40 = vector.load %arg12[%get3A_38, %get3A_39] : memref<1x512xf32, #tpu.memory_space<vmem>>, vector<1x512xf32>
      %add3A_41 = vector.broadcast %get3A_40 : vector<1x512xf32> to vector<256x512xf32>
      %add3A_42 = arith.addf %sub3A_37, %add3A_41 : vector<256x512xf32>
      %reduce_min3A = arith.constant dense<0x7F800000> : vector<256xf32>
      %reduce_min3A_43 = vector.multi_reduction <minimumf>, %add3A_42, %reduce_min3A [1] : vector<256x512xf32> to vector<256xf32>
      %broadcast_in_dim3A_44 = vector.shape_cast %reduce_min3A_43 : vector<256xf32> to vector<256x1xf32>
      %iota3A = tpu.iota {dimensions = array<i32: 1>} : vector<256x512xi32>
      %le3A = vector.broadcast %broadcast_in_dim3A_44 : vector<256x1xf32> to vector<256x512xf32>
      %le3A_45 = arith.cmpf ole, %add3A_42, %le3A : vector<256x512xf32>
      %jit3A = arith.constant 512 : i32
      %broadcast_in_dim3A_46 = vector.broadcast %jit3A : i32 to vector<256x512xi32>
      %select_n3A = arith.select %le3A_45, %iota3A, %broadcast_in_dim3A_46 : vector<256x512xi1>, vector<256x512xi32>
      %reduce_min3A_47 = arith.constant dense<2147483647> : vector<256xi32>
      %reduce_min3A_48 = vector.multi_reduction <minsi>, %select_n3A, %reduce_min3A_47 [1] : vector<256x512xi32> to vector<256xi32>
      %broadcast_in_dim3A_49 = vector.shape_cast %reduce_min3A_48 : vector<256xi32> to vector<256x1xi32>
      %eq3A_50 = vector.broadcast %broadcast_in_dim3A_49 : vector<256x1xi32> to vector<256x512xi32>
      %eq3A_51 = arith.cmpi eq, %iota3A, %eq3A_50 : vector<256x512xi32>
      %convert_element_type3A_52 = arith.extui %eq3A_51 : vector<256x512xi1> to vector<256x512xi32>
      %convert_element_type3A_53 = arith.sitofp %convert_element_type3A_52 : vector<256x512xi32> to vector<256x512xf32>
      %dot_general3A_54 = arith.constant dense<0.000000e+00> : vector<256x1024xf32>
      %dot_general3A_55 = tpu.matmul %convert_element_type3A_53, %get3A_30, %dot_general3A_54 {dimension_numbers = #tpu.dot_dimension_numbers<[1], [0], [0], [1], [0, 0, 1, 1], [], []>, transpose_lhs_hint = false} : vector<256x512xf32>, vector<512x1024xf32>, vector<256x1024xf32> -> vector<256x1024xf32>
      %get3A_56 = arith.constant 0 : index
      %get3A_57 = arith.constant 0 : index
      %get3A_58 = vector.load %arg6[%get3A_56, %get3A_57] : memref<1024x1024xf32, #tpu.memory_space<vmem>>, vector<1024x1024xf32>
      %dot_general3A_59 = arith.constant dense<0.000000e+00> : vector<256x1024xf32>
      %dot_general3A_60 = tpu.matmul %dot_general3A_55, %get3A_58, %dot_general3A_59 {dimension_numbers = #tpu.dot_dimension_numbers<[1], [0], [0], [1], [0, 0, 1, 1], [], []>, transpose_lhs_hint = false} : vector<256x1024xf32>, vector<1024x1024xf32>, vector<256x1024xf32> -> vector<256x1024xf32>
      %get3A_61 = arith.constant 0 : index
      %get3A_62 = arith.constant 0 : index
      %get3A_63 = vector.load %arg7[%get3A_61, %get3A_62] : memref<1x1024xf32, #tpu.memory_space<vmem>>, vector<1x1024xf32>
      %add3A_64 = vector.broadcast %get3A_63 : vector<1x1024xf32> to vector<256x1024xf32>
      %add3A_65 = arith.addf %dot_general3A_60, %add3A_64 : vector<256x1024xf32>
      %swap3A = arith.constant 0 : index
      %swap3A_66 = arith.constant 0 : index
      %swap3A_67 = vector.load %arg8[%swap3A, %swap3A_66] : memref<256x1024xf32, #tpu.memory_space<vmem>>, vector<256x1024xf32>
      tpu.vector_store %arg8[%swap3A, %swap3A_66], %add3A_65 {strides = array<i32>} : memref<256x1024xf32, #tpu.memory_space<vmem>>, vector<256x1024xf32>,
      %iota3A_68 = tpu.iota {dimensions = array<i32: 0>} : vector<256x1xi32>
      %mul3A_69 = arith.constant 256 : i32
      %mul3A_70 = arith.muli %arg0, %mul3A_69 : i32
      %add3A_71 = vector.broadcast %mul3A_70 : i32 to vector<256x1xi32>
      %add3A_72 = arith.addi %add3A_71, %iota3A_68 : vector<256x1xi32>
      %add3A_73 = arith.constant 24 : i32
      %add3A_74 = arith.addi %add3A_73, %get3A_14 : i32
      %get3A_75 = arith.constant 0 : index
      %get3A_76 = arith.index_cast %add3A_74 : i32 to index
      %get3A_77 = memref.load %arg1[%get3A_75, %get3A_76] : memref<8x128xi32, #tpu.memory_space<smem>>
      %sub3A_78 = vector.broadcast %get3A_77 : i32 to vector<256x1xi32>
      %sub3A_79 = arith.subi %add3A_72, %sub3A_78 : vector<256x1xi32>
      %add3A_80 = arith.constant 16 : i32
      %add3A_81 = arith.addi %add3A_80, %get3A_14 : i32
      %get3A_82 = arith.constant 0 : index
      %get3A_83 = arith.index_cast %add3A_81 : i32 to index
      %get3A_84 = memref.load %arg1[%get3A_82, %get3A_83] : memref<8x128xi32, #tpu.memory_space<smem>>
      %lt3A_85 = vector.broadcast %get3A_84 : i32 to vector<256x1xi32>
      %lt3A_86 = arith.cmpi slt, %sub3A_79, %lt3A_85 : vector<256x1xi32>
      %sub3A_87 = arith.subf %add3A_65, %get3A_17 : vector<256x1024xf32>
      %mul3A_88 = arith.mulf %sub3A_87, %sub3A_87 : vector<256x1024xf32>
      %reduce_sum3A_89 = arith.constant dense<0.000000e+00> : vector<256xf32>
      %reduce_sum3A_90 = vector.multi_reduction <add>, %mul3A_88, %reduce_sum3A_89 [1] : vector<256x1024xf32> to vector<256xf32>
      %broadcast_in_dim3A_91 = vector.shape_cast %reduce_sum3A_90 : vector<256xf32> to vector<256x1xf32>
      %get3A_92 = arith.constant 0 : index
      %get3A_93 = memref.load %arg10[%get3A_92] : memref<1xf32, #tpu.memory_space<smem>>
      %jit3A_94 = arith.constant 0.000000e+00 : f32
      %broadcast_in_dim3A_95 = vector.broadcast %jit3A_94 : f32 to vector<256x1xf32>
      %select_n3A_96 = arith.select %lt3A_86, %broadcast_in_dim3A_91, %broadcast_in_dim3A_95 : vector<256x1xi1>, vector<256x1xf32>
      %reduce_sum3A_97 = vector.shape_cast %select_n3A_96 : vector<256x1xf32> to vector<1x256x1xf32>
      %reduce_sum3A_98 = arith.constant dense<0.000000e+00> : vector<1xf32>
      %reduce_sum3A_99 = vector.multi_reduction <add>, %reduce_sum3A_97, %reduce_sum3A_98 [1, 2] : vector<1x256x1xf32> to vector<1xf32>
      %reduce_sum3A_100 = vector.shape_cast %reduce_sum3A_99 : vector<1xf32> to vector<1x1x1xf32>
      %reduce_sum3A_101 = vector.extract %reduce_sum3A_100[0, 0, 0] : f32 from vector<1x1x1xf32>
      %add3A_102 = arith.addf %get3A_93, %reduce_sum3A_101 : f32
      %swap3A_103 = arith.constant 0 : index
      %swap3A_104 = memref.load %arg10[%swap3A_103] : memref<1xf32, #tpu.memory_space<smem>>
      memref.store %add3A_102, %arg10[%swap3A_103] : memref<1xf32, #tpu.memory_space<smem>>
      %sub3A_105 = arith.subf %add3A_27, %dot_general3A_55 : vector<256x1024xf32>
      %mul3A_106 = arith.mulf %sub3A_105, %sub3A_105 : vector<256x1024xf32>
      %reduce_sum3A_107 = arith.constant dense<0.000000e+00> : vector<256xf32>
      %reduce_sum3A_108 = vector.multi_reduction <add>, %mul3A_106, %reduce_sum3A_107 [1] : vector<256x1024xf32> to vector<256xf32>
      %broadcast_in_dim3A_109 = vector.shape_cast %reduce_sum3A_108 : vector<256xf32> to vector<256x1xf32>
      %get3A_110 = arith.index_cast %get3A_14 : i32 to index
      %get3A_111 = memref.load %arg11[%get3A_110] : memref<8xf32, #tpu.memory_space<smem>>
      %jit3A_112 = arith.constant 0.000000e+00 : f32
      %broadcast_in_dim3A_113 = vector.broadcast %jit3A_112 : f32 to vector<256x1xf32>
      %select_n3A_114 = arith.select %lt3A_86, %broadcast_in_dim3A_109, %broadcast_in_dim3A_113 : vector<256x1xi1>, vector<256x1xf32>
      %reduce_sum3A_115 = vector.shape_cast %select_n3A_114 : vector<256x1xf32> to vector<1x256x1xf32>
      %reduce_sum3A_116 = arith.constant dense<0.000000e+00> : vector<1xf32>
      %reduce_sum3A_117 = vector.multi_reduction <add>, %reduce_sum3A_115, %reduce_sum3A_116 [1, 2] : vector<1x256x1xf32> to vector<1xf32>
      %reduce_sum3A_118 = vector.shape_cast %reduce_sum3A_117 : vector<1xf32> to vector<1x1x1xf32>
      %reduce_sum3A_119 = vector.extract %reduce_sum3A_118[0, 0, 0] : f32 from vector<1x1x1xf32>
      %add3A_120 = arith.addf %get3A_111, %reduce_sum3A_119 : f32
      %swap3A_121 = arith.index_cast %get3A_14 : i32 to index
      %swap3A_122 = memref.load %arg11[%swap3A_121] : memref<8xf32, #tpu.memory_space<smem>>
      memref.store %add3A_120, %arg11[%swap3A_121] : memref<8xf32, #tpu.memory_space<smem>>
    } else {
    }
    %eq3A_7 = arith.constant 15 : i32
    %eq3A_8 = arith.cmpi eq, %arg0, %eq3A_7 : i32
    %convert_element_type3A_9 = arith.extui %eq3A_8 : i1 to i32
    %cond3A_10 = arith.constant 0 : i32
    %cond3A_11 = arith.cmpi ne, %convert_element_type3A_9, %cond3A_10 : i32
    scf.if %cond3A_11 {
      %get3A_12 = arith.constant 0 : index
      %get3A_13 = arith.constant 16 : index
      %get3A_14 = memref.load %arg1[%get3A_12, %get3A_13] : memref<8x128xi32, #tpu.memory_space<smem>>
      %convert_element_type3A_15 = arith.sitofp %get3A_14 : i32 to f32
      %mul3A = arith.constant 1.024000e+03 : f32
      %mul3A_16 = arith.mulf %convert_element_type3A_15, %mul3A : f32
      %max3A = arith.constant 1.000000e+00 : f32
      %max3A_17 = arith.maximumf %mul3A_16, %max3A : f32
      %get3A_18 = arith.constant 0 : index
      %get3A_19 = memref.load %arg11[%get3A_18] : memref<8xf32, #tpu.memory_space<smem>>
      %mul3A_20 = arith.constant 1.250000e+00 : f32
      %mul3A_21 = arith.mulf %mul3A_20, %get3A_19 : f32
      %div3A = arith.divf %mul3A_21, %max3A_17 : f32
      %add3A = arith.constant 0.000000e+00 : f32
      %add3A_22 = arith.addf %add3A, %div3A : f32
      %get3A_23 = arith.constant 0 : index
      %get3A_24 = arith.constant 17 : index
      %get3A_25 = memref.load %arg1[%get3A_23, %get3A_24] : memref<8x128xi32, #tpu.memory_space<smem>>
      %convert_element_type3A_26 = arith.sitofp %get3A_25 : i32 to f32
      %mul3A_27 = arith.constant 1.024000e+03 : f32
      %mul3A_28 = arith.mulf %convert_element_type3A_26, %mul3A_27 : f32
      %max3A_29 = arith.constant 1.000000e+00 : f32
      %max3A_30 = arith.maximumf %mul3A_28, %max3A_29 : f32
      %get3A_31 = arith.constant 1 : index
      %get3A_32 = memref.load %arg11[%get3A_31] : memref<8xf32, #tpu.memory_space<smem>>
      %mul3A_33 = arith.constant 1.250000e+00 : f32
      %mul3A_34 = arith.mulf %mul3A_33, %get3A_32 : f32
      %div3A_35 = arith.divf %mul3A_34, %max3A_30 : f32
      %add3A_36 = arith.addf %add3A_22, %div3A_35 : f32
      %get3A_37 = arith.constant 0 : index
      %get3A_38 = arith.constant 18 : index
      %get3A_39 = memref.load %arg1[%get3A_37, %get3A_38] : memref<8x128xi32, #tpu.memory_space<smem>>
      %convert_element_type3A_40 = arith.sitofp %get3A_39 : i32 to f32
      %mul3A_41 = arith.constant 1.024000e+03 : f32
      %mul3A_42 = arith.mulf %convert_element_type3A_40, %mul3A_41 : f32
      %max3A_43 = arith.constant 1.000000e+00 : f32
      %max3A_44 = arith.maximumf %mul3A_42, %max3A_43 : f32
      %get3A_45 = arith.constant 2 : index
      %get3A_46 = memref.load %arg11[%get3A_45] : memref<8xf32, #tpu.memory_space<smem>>
      %mul3A_47 = arith.constant 1.250000e+00 : f32
      %mul3A_48 = arith.mulf %mul3A_47, %get3A_46 : f32
      %div3A_49 = arith.divf %mul3A_48, %max3A_44 : f32
      %add3A_50 = arith.addf %add3A_36, %div3A_49 : f32
      %get3A_51 = arith.constant 0 : index
      %get3A_52 = arith.constant 19 : index
      %get3A_53 = memref.load %arg1[%get3A_51, %get3A_52] : memref<8x128xi32, #tpu.memory_space<smem>>
      %convert_element_type3A_54 = arith.sitofp %get3A_53 : i32 to f32
      %mul3A_55 = arith.constant 1.024000e+03 : f32
      %mul3A_56 = arith.mulf %convert_element_type3A_54, %mul3A_55 : f32
      %max3A_57 = arith.constant 1.000000e+00 : f32
      %max3A_58 = arith.maximumf %mul3A_56, %max3A_57 : f32
      %get3A_59 = arith.constant 3 : index
      %get3A_60 = memref.load %arg11[%get3A_59] : memref<8xf32, #tpu.memory_space<smem>>
      %mul3A_61 = arith.constant 1.250000e+00 : f32
      %mul3A_62 = arith.mulf %mul3A_61, %get3A_60 : f32
      %div3A_63 = arith.divf %mul3A_62, %max3A_58 : f32
      %add3A_64 = arith.addf %add3A_50, %div3A_63 : f32
      %get3A_65 = arith.constant 0 : index
      %get3A_66 = arith.constant 20 : index
      %get3A_67 = memref.load %arg1[%get3A_65, %get3A_66] : memref<8x128xi32, #tpu.memory_space<smem>>
      %convert_element_type3A_68 = arith.sitofp %get3A_67 : i32 to f32
      %mul3A_69 = arith.constant 1.024000e+03 : f32
      %mul3A_70 = arith.mulf %convert_element_type3A_68, %mul3A_69 : f32
      %max3A_71 = arith.constant 1.000000e+00 : f32
      %max3A_72 = arith.maximumf %mul3A_70, %max3A_71 : f32
      %get3A_73 = arith.constant 4 : index
      %get3A_74 = memref.load %arg11[%get3A_73] : memref<8xf32, #tpu.memory_space<smem>>
      %mul3A_75 = arith.constant 1.250000e+00 : f32
      %mul3A_76 = arith.mulf %mul3A_75, %get3A_74 : f32
      %div3A_77 = arith.divf %mul3A_76, %max3A_72 : f32
      %add3A_78 = arith.addf %add3A_64, %div3A_77 : f32
      %get3A_79 = arith.constant 0 : index
      %get3A_80 = arith.constant 21 : index
      %get3A_81 = memref.load %arg1[%get3A_79, %get3A_80] : memref<8x128xi32, #tpu.memory_space<smem>>
      %convert_element_type3A_82 = arith.sitofp %get3A_81 : i32 to f32
      %mul3A_83 = arith.constant 1.024000e+03 : f32
      %mul3A_84 = arith.mulf %convert_element_type3A_82, %mul3A_83 : f32
      %max3A_85 = arith.constant 1.000000e+00 : f32
      %max3A_86 = arith.maximumf %mul3A_84, %max3A_85 : f32
      %get3A_87 = arith.constant 5 : index
      %get3A_88 = memref.load %arg11[%get3A_87] : memref<8xf32, #tpu.memory_space<smem>>
      %mul3A_89 = arith.constant 1.250000e+00 : f32
      %mul3A_90 = arith.mulf %mul3A_89, %get3A_88 : f32
      %div3A_91 = arith.divf %mul3A_90, %max3A_86 : f32
      %add3A_92 = arith.addf %add3A_78, %div3A_91 : f32
      %get3A_93 = arith.constant 0 : index
      %get3A_94 = arith.constant 22 : index
      %get3A_95 = memref.load %arg1[%get3A_93, %get3A_94] : memref<8x128xi32, #tpu.memory_space<smem>>
      %convert_element_type3A_96 = arith.sitofp %get3A_95 : i32 to f32
      %mul3A_97 = arith.constant 1.024000e+03 : f32
      %mul3A_98 = arith.mulf %convert_element_type3A_96, %mul3A_97 : f32
      %max3A_99 = arith.constant 1.000000e+00 : f32
      %max3A_100 = arith.maximumf %mul3A_98, %max3A_99 : f32
      %get3A_101 = arith.constant 6 : index
      %get3A_102 = memref.load %arg11[%get3A_101] : memref<8xf32, #tpu.memory_space<smem>>
      %mul3A_103 = arith.constant 1.250000e+00 : f32
      %mul3A_104 = arith.mulf %mul3A_103, %get3A_102 : f32
      %div3A_105 = arith.divf %mul3A_104, %max3A_100 : f32
      %add3A_106 = arith.addf %add3A_92, %div3A_105 : f32
      %get3A_107 = arith.constant 0 : index
      %get3A_108 = arith.constant 23 : index
      %get3A_109 = memref.load %arg1[%get3A_107, %get3A_108] : memref<8x128xi32, #tpu.memory_space<smem>>
      %convert_element_type3A_110 = arith.sitofp %get3A_109 : i32 to f32
      %mul3A_111 = arith.constant 1.024000e+03 : f32
      %mul3A_112 = arith.mulf %convert_element_type3A_110, %mul3A_111 : f32
      %max3A_113 = arith.constant 1.000000e+00 : f32
      %max3A_114 = arith.maximumf %mul3A_112, %max3A_113 : f32
      %get3A_115 = arith.constant 7 : index
      %get3A_116 = memref.load %arg11[%get3A_115] : memref<8xf32, #tpu.memory_space<smem>>
      %mul3A_117 = arith.constant 1.250000e+00 : f32
      %mul3A_118 = arith.mulf %mul3A_117, %get3A_116 : f32
      %div3A_119 = arith.divf %mul3A_118, %max3A_114 : f32
      %add3A_120 = arith.addf %add3A_106, %div3A_119 : f32
      %get3A_121 = arith.constant 0 : index
      %get3A_122 = memref.load %arg10[%get3A_121] : memref<1xf32, #tpu.memory_space<smem>>
      %div3A_123 = arith.constant 0x4A000000 : f32
      %div3A_124 = arith.divf %get3A_122, %div3A_123 : f32
      %div3A_125 = arith.constant 8.000000e+00 : f32
      %div3A_126 = arith.divf %add3A_120, %div3A_125 : f32
      %add3A_127 = arith.addf %div3A_124, %div3A_126 : f32
      %swap3A = arith.constant 0 : index
      %swap3A_128 = memref.load %arg9[%swap3A] : memref<1xf32, #tpu.memory_space<smem>>
      memref.store %add3A_127, %arg9[%swap3A] : memref<1xf32, #tpu.memory_space<smem>>
    } else {
    }
    return
  }
  func.func @transform_0(%arg0: i32, %arg1: memref<8x128xi32, #tpu.memory_space<smem>>) -> (i32, i32) {
    %get3A = arith.constant 0 : index
    %get3A_0 = arith.constant 32 : index
    %get3A_1 = memref.load %arg1[%get3A, %get3A_0] : memref<8x128xi32, #tpu.memory_space<smem>>
    %sub3A = arith.constant 1 : i32
    %sub3A_2 = arith.subi %get3A_1, %sub3A : i32
    %min3A = arith.minsi %arg0, %sub3A_2 : i32
    %c0_i32 = arith.constant 0 : i32
    %c0_i32_3 = arith.constant 0 : i32
    return %min3A, %c0_i32 : i32, i32
  }
  func.func @transform_1(%arg0: i32, %arg1: memref<8x128xi32, #tpu.memory_space<smem>>) -> (i32, i32, i32) {
    %get3A = arith.constant 0 : index
    %get3A_0 = arith.index_cast %arg0 : i32 to index
    %get3A_1 = memref.load %arg1[%get3A, %get3A_0] : memref<8x128xi32, #tpu.memory_space<smem>>
    %c0_i32 = arith.constant 0 : i32
    %c0_i32_2 = arith.constant 0 : i32
    %c0_i32_3 = arith.constant 0 : i32
    return %get3A_1, %c0_i32, %c0_i32_2 : i32, i32, i32
  }
  func.func @transform_2(%arg0: i32, %arg1: memref<8x128xi32, #tpu.memory_space<smem>>) -> (i32, i32) {
    %c0_i32 = arith.constant 0 : i32
    %c0_i32_0 = arith.constant 0 : i32
    %c0_i32_1 = arith.constant 0 : i32
    return %c0_i32, %c0_i32_0 : i32, i32
  }
  func.func @transform_3(%arg0: i32, %arg1: memref<8x128xi32, #tpu.memory_space<smem>>) -> (i32, i32) {
    %c0_i32 = arith.constant 0 : i32
    %c0_i32_0 = arith.constant 0 : i32
    %c0_i32_1 = arith.constant 0 : i32
    return %c0_i32, %c0_i32_0 : i32, i32
  }
  func.func @transform_4(%arg0: i32, %arg1: memref<8x128xi32, #tpu.memory_space<smem>>) -> (i32, i32) {
    %c0_i32 = arith.constant 0 : i32
    %c0_i32_0 = arith.constant 0 : i32
    %c0_i32_1 = arith.constant 0 : i32
    return %c0_i32, %c0_i32_0 : i32, i32
  }
  func.func @transform_5(%arg0: i32, %arg1: memref<8x128xi32, #tpu.memory_space<smem>>) -> (i32, i32) {
    %c0_i32 = arith.constant 0 : i32
    %c0_i32_0 = arith.constant 0 : i32
    %c0_i32_1 = arith.constant 0 : i32
    return %c0_i32, %c0_i32_0 : i32, i32
  }
  func.func @transform_6(%arg0: i32, %arg1: memref<8x128xi32, #tpu.memory_space<smem>>) -> (i32, i32) {
    %get3A = arith.constant 0 : index
    %get3A_0 = arith.constant 32 : index
    %get3A_1 = memref.load %arg1[%get3A, %get3A_0] : memref<8x128xi32, #tpu.memory_space<smem>>
    %sub3A = arith.constant 1 : i32
    %sub3A_2 = arith.subi %get3A_1, %sub3A : i32
    %min3A = arith.minsi %arg0, %sub3A_2 : i32
    %c0_i32 = arith.constant 0 : i32
    %c0_i32_3 = arith.constant 0 : i32
    return %min3A, %c0_i32 : i32, i32
  }
  func.func @transform_7(%arg0: i32, %arg1: memref<8x128xi32, #tpu.memory_space<smem>>) -> i32 {
    %c0_i32 = arith.constant 0 : i32
    %c0_i32_0 = arith.constant 0 : i32
    return %c0_i32 : i32
  }
}

</mosaic_0001>

<sc_bundles>
// kernel: kernel.6.cloned.1.call-start
scs
__scs_entry_jumppad:
0x0: {  	(pc) =	sbr.rel $0x88, $3  }
0x1: {  	(tag) =	ssettag $0x0;
	lr =	simm.s32 $0x1  }
0x2: {  	[smem:$0x3F9A] =	sst lr;
	_ =	strace $0xD0000000  }
0x3: {  	_ = 	snop  }
0x4: {  	_ = 	snop  }
0x5: {  	_ = 	snop  }
0x6: {  	_ = 	snop  }
0x7: {  	_ = 	snop  }
__scs_overlays_trampoline_lowered:
0x8: {  	[smem:$0x3FA9] =	sst s0  }
0x9: {  	[smem:$0x3FAA] =	sst s1  }
0xa: {  	[smem:$0x3FAB] =	sst s2  }
0xb: {  	[smem:$0x3FAC] =	sst s3  }
0xc: {  	[smem:$0x3FAD] =	sst s4  }
0xd: {  	[smem:$0x3FAE] =	sst s5  }
0xe: {  	[smem:$0x3FAF] =	sst s6  }
0xf: {  	[smem:$0x3FB0] =	sst s7  }
0x10: {  	[smem:$0x3FB1] =	sst s8  }
0x11: {  	[smem:$0x3FB2] =	sst s9;
	s0 =	simm.s32 @!p0 $0x0  }
0x12: {  	s1 =	sld [smem:$0x3F98];
	s0 =	simm.s32 @p0 $0x1  }
0x13: {  	[smem:$0x3FB3] =	sst s0;
	s0 =	simm.s32 @!p1 $0x0  }
0x14: {  	s2 =	sld [smem:$0x3F97];
	s0 =	simm.s32 @p1 $0x1  }
0x15: {  	[smem:$0x3FB4] =	sst s0;
	s0 =	simm.s32 @!p2 $0x0  }
0x16: {  	s3 =	sld [smem:$0x3FDB];
	s0 =	simm.s32 @p2 $0x1  }
0x17: {  	s4 =	simm.s32 $0x1BF5;
	[smem:$0x3FB6] =	sst s0  }
0x18: {  	s0 =	sld [smem:$0x3F99];
	_ =	swait.ge [sflag:s4], $0x0  }
0x19: {  	s7 =	sld [smem:$0x3F9A]  }
0x1a: {  	s8 =	sadd.s32 $0xFFFFE003, lr  }
0x1b: {  	s9 =	sadd.s32 $0xFFFFFEF7, lr;
	s5 =	simm.s32 $0xFFFFFFFF;
	p2 =	slt.u32 s8, $0xFFFFF086  }
0x1c: {  	p1 =	slt.u32 s9, $0xF7A;
	s5 =	simm.s32 @!p2 $0x0  }
0x1d: {  	s5 =	simm.s32 @p1 $0x1;
	p0 =	seq.s32 s7, s2  }
0x1e: {  	s7 =	smul.u32 @!p0 $0xF7A, s2;
	p2 =	seq.s32 @!p0 s5, $0x0  }
0x1f: {  	s9 =	smul.u32 $0xF7A, s1;
	s8 =	simm.s32 @!p0 $0x1BF5;
	p2 =	por !p2, p0  }
0x20: {  	[sflag:s8] =	ssyncset.s32 @!p0 $0xFFFFF086;
	s6 =	sadd.s32 @!p0 s3, s7;
	s7 =	simm.s32 @!p0 $0x108  }
0x21: {  	s3 =	sadd.s32 s3, s9;
	s6 =	sadd.s32 @!p0 $0x88, s6;
	s7 =	simm.s32 @p2 $0x1082  }
0x22: {  	[simem:s7], [sflag:s8] =	dma.local @!p0 [hbm:s6], $0xF7A  }
0x23: {  	s9 =	sor.u32 $0xD0000000, s2;
	s6 =	simm.s32 $0x108;
	_ =	swait.ge @!p0 [sflag:s8], $0x0  }
0x24: {  	s3 =	sadd.s32 $0x88, s3;
	s6 =	simm.s32 @!p1 $0x1082;
	[sflag:s4] =	ssyncset.s32 $0xFFFFF086  }
0x25: {  	[simem:s6], [sflag:s4] =	dma.local [hbm:s3], $0xF7A  }
0x26: {  	[smem:$0x3F9A] =	sst s1;
	(tag) =	ssettag s2;
	_ =	strace s9  }
0x27: {  	s1 =	sld [smem:$0x3FAA]  }
0x28: {  	s2 =	sld [smem:$0x3FAB]  }
0x29: {  	s4 =	sld [smem:$0x3FAD]  }
0x2a: {  	p0 =	seq.s32 s5, $0x0;
	s5 =	sld [smem:$0x3FAE]  }
0x2b: {  	s6 =	sld [smem:$0x3FAF]  }
0x2c: {  	s7 =	sld [smem:$0x3FB0]  }
0x2d: {  	s3 =	simm.s32 $0x108;
	s8 =	sld [smem:$0x3FB1]  }
0x2e: {  	s3 =	simm.s32 @!p0 $0x1082;
	s9 =	sld [smem:$0x3FB2]  }
0x2f: {  	lr =	sadd.s32 s0, s3;
	s0 =	sld [smem:$0x3FA9]  }
0x30: {  	s3 =	sld [smem:$0x3FAC]  }
0x31: {  	[smem:$0x3FB5] =	sst s10  }
0x32: {  	s10 =	sld [smem:$0x3FB3];
	_ =	sdelay $0x3  }
0x33: {  	p0 =	seq.s32 s10, $0x1;
	s10 =	sld [smem:$0x3FB5];
	_ =	sdelay $0x3  }
0x34: {  	[smem:$0x3FB5] =	sst s10  }
0x35: {  	s10 =	sld [smem:$0x3FB4];
	_ =	sdelay $0x3  }
0x36: {  	p1 =	seq.s32 s10, $0x1;
	s10 =	sld [smem:$0x3FB5];
	_ =	sdelay $0x3  }
0x37: {  	[smem:$0x3FB5] =	sst s10  }
0x38: {  	s10 =	sld [smem:$0x3FB6]  }
0x39: {  	_ = 	snop;
	(pc) =	sbr.ind lr, $3  }
0x3a: {  	_ = 	snop  }
0x3b: {  	_ = 	snop  }
0x3c: {  	p2 =	seq.s32 s10, $0x1;
	s10 =	sld [smem:$0x3FB5]  }
0x3d: {  	_ =	shalt  }
0x3e: {  	_ =	shalt  }
0x3f: {  	_ =	shalt  }
0x40: {  	_ =	shalt  }
0x41: {  	_ =	shalt  }
0x42: {  	_ =	shalt  }
0x43: {  	_ =	shalt  }
0x44: {  	_ =	shalt  }
0x45: {  	_ =	shalt  }
0x46: {  	_ =	shalt  }
0x47: {  	_ =	shalt  }
0x48: {  	_ =	shalt  }
0x49: {  	_ =	shalt  }
0x4a: {  	_ =	shalt  }
0x4b: {  	_ =	shalt  }
0x4c: {  	_ =	shalt  }
0x4d: {  	_ =	shalt  }
0x4e: {  	_ =	shalt  }
0x4f: {  	_ =	shalt  }
0x50: {  	_ =	shalt  }
0x51: {  	_ =	shalt  }
0x52: {  	_ =	shalt  }
0x53: {  	_ =	shalt  }
0x54: {  	_ =	shalt  }
0x55: {  	_ =	shalt  }
0x56: {  	_ =	shalt  }
0x57: {  	_ =	shalt  }
0x58: {  	_ =	shalt  }
0x59: {  	_ =	shalt  }
0x5a: {  	_ =	shalt  }
0x5b: {  	_ =	shalt  }
0x5c: {  	_ =	shalt  }
0x5d: {  	_ =	shalt  }
0x5e: {  	_ =	shalt  }
0x5f: {  	_ =	shalt  }
0x60: {  	_ =	shalt  }
0x61: {  	_ =	shalt  }
0x62: {  	_ =	shalt  }
0x63: {  	_ =	shalt  }
0x64: {  	_ =	shalt  }
0x65: {  	_ =	shalt  }
0x66: {  	_ =	shalt  }
0x67: {  	_ =	shalt  }
0x68: {  	_ =	shalt  }
0x69: {  	_ =	shalt  }
0x6a: {  	_ =	shalt  }
0x6b: {  	_ =	shalt  }
0x6c: {  	_ =	shalt  }
0x6d: {  	_ =	shalt  }
0x6e: {  	_ =	shalt  }
0x6f: {  	_ =	shalt  }
0x70: {  	_ =	shalt  }
0x71: {  	_ =	shalt  }
0x72: {  	_ =	shalt  }
0x73: {  	_ =	shalt  }
0x74: {  	_ =	shalt  }
0x75: {  	_ =	shalt  }
0x76: {  	_ =	shalt  }
0x77: {  	_ =	shalt  }
0x78: {  	_ =	shalt  }
0x79: {  	_ =	shalt  }
0x7a: {  	_ =	shalt  }
0x7b: {  	_ =	shalt  }
0x7c: {  	_ =	shalt  }
0x7d: {  	_ =	shalt  }
0x7e: {  	_ =	shalt  }
0x7f: {  	_ =	shalt  }
0x80: {  	_ =	shalt  }
0x81: {  	_ =	shalt  }
0x82: {  	_ =	shalt  }
0x83: {  	_ =	shalt  }
0x84: {  	_ =	shalt  }
0x85: {  	_ =	shalt  }
0x86: {  	_ =	shalt  }
0x87: {  	_ =	shalt  }
.Lfunc_end0:
.L_simem_size_0:
called_computation_lowered:
.L_overlay_start_0:
0x88: {  	s2 =	sld [smem:$0x3FD9]  }
0x89: {  	s3 =	sld [smem:$0x3FFE];
	_ =	sdelay $0x1  }
0x8a: {  	s1 =	srdreg.scid  }
0x8b: {  	s0 =	sand.u32 $0x1, s1  }
0x8c: {  	s17 =	sshll.u32 s0, $0xA;
	s2 =	sadd.s32 s3, s2  }
0x8d: {  	s2 =	sadd.s32 s2, s17  }
0x8e: {  	[smem:$0x3FC1] =	sst s2  }
0x8f: {  	_ = 	snop  }
0x90: {  	s2 =	sld [smem:$0x3FC9];
	(tm) =	ssettm $0x1  }
0x91: {  	s18 =	sld [smem:$0x3FFB];
	_ =	sdelay $0x3  }
0x92: {  	_ =	strace s18  }
0x93: {  	s3 =	sld [smem:$0x3FFC];
	_ =	sdelay $0x3  }
0x94: {  	_ =	strace s3  }
0x95: {  	s3 =	sld [smem:$0x3FFD];
	_ =	sdelay $0x3  }
0x96: {  	_ =	strace s3  }
0x97: {  	_ =	strace $0x8FFFFFFF  }
0x98: {  	s19 =	sld [smem:$0x3FDB];
	_ =	sdelay $0x1  }
0x99: {  	s4 =	simm.s32 $_scs_section_size  }
0x9a: {  	s5 =	simm.s32 $_size__tile_overlayer_lowered;
	s6 =	simm.s32 $_tile_overlayer_lowered  }
0x9b: {  	s22 =	simm.s32 $0x1BFF;
	s21 =	sshll.u32 s6, $0x1;
	s3 =	sadd.s32 s4, s19  }
0x9c: {  	s7 =	simm.s32 $0x0;
	s20 =	sshll.u32 s5, $0x1;
	s5 =	sadd.s32 s21, s3  }
0x9d: {  	[timem:s7], [sflag:s22] =	dma.local [hbm:s5], s20  }
0x9e: {  	_ =	swait.ge [sflag:s22], s20  }
0x9f: {  	s4 =	ssub.s32 $0x0, s20;
	[sflag:s22] =	ssyncset.done $0x0  }
0xa0: {  	[sflag:s22] =	ssyncadd.s32 s4;
	_ =	sdelay $0x1  }
0xa1: {  	s23 =	simm.s32 $0x1B8B  }
0xa2: {  	_ =	swait.ge [sflag:s23], $0x1  }
0xa3: {  	[sflag:s23] =	ssyncset.done $0x0  }
0xa4: {  	s25 =	simm.s32 $0x1B8E;
	s24 =	sld [smem:$0x3FFE];
	[sflag:s23] =	ssyncadd.s32 $0xFFFFFFFF  }
0xa5: {  	s26 =	simm.s32 $execute0_lowered;
	[smem:$0x3FD2] =	sst s25  }
0xa6: {  	s5 =	sshll.u32 s26, $0x1;
	_ =	strace $0x80000046;
	[dreg:$0x1] =	wrdreg $0xFFFFFFFF  }
0xa7: {  	s28 =	simm.s32 $_size_execute0_lowered;
	s3 =	sadd.s32 s3, s5;
	[dreg:$0x0] =	wrdreg $0x0  }
0xa8: {  	s5 =	sshll.u32 s28, $0x1;
	[dreg:$0x2] =	wrdreg s3  }
0xa9: {  	[dreg:$0x3] =	wrdreg s5  }
0xaa: {  	[dreg:$0x4] =	wrdreg $0xC0  }
0xab: {  	_ =	task [dreg:s7], $0x5FFFF  }
0xac: {  	[dreg:$0x1] =	wrdreg $0xFFFFFFFF  }
0xad: {  	[dreg:$0x0] =	wrdreg $0x60  }
0xae: {  	[dreg:$0x2] =	wrdreg s2  }
0xaf: {  	[dreg:$0x3] =	wrdreg s24  }
0xb0: {  	[dreg:$0x4] =	wrdreg $0x9  }
0xb1: {  	_ =	task.clear_ibuf [dreg:s7], $0x5FFFF;
	_ =	strace $0x90000046  }
0xb2: {  	s29 =	simm.s32 $0x9;
	_ =	strace $0x80000048  }
0xb3: {  	_ =	swait.ge [sflag:s29], $0x1  }
0xb4: {  	[sflag:s29] =	ssyncadd.s32 $0xFFFFFFFF  }
0xb5: {  	_ =	strace $0x90000048  }
0xb6: {  	_ =	sfence  }
0xb7: {  	s30 =	sld [smem:$0x0];
	_ =	sdelay $0x2  }
0xb8: {  	s31 =	sshll.u32 s1, $0xD;
	s1 =	sshrl.u32 s1, $0x2  }
0xb9: {  	s3 =	sand.u32 $0x4000, s31;
	s1 =	sadd.s32 s1, s30  }
0xba: {  	s0 =	sor.u32 s3, s0;
	s1 =	sshll.u32 s1, $0x11  }
0xbb: {  	s0 =	sor.u32 s1, s0  }
0xbc: {  	s0 =	sadd.s32 $0x8F2B, s0  }
0xbd: {  	[sflag:s0] =	ssyncadd.remote.s32 $0x1  }
0xbe: {  	_ =	sfence.sel $0xFFFF  }
0xbf: {  	[dreg:$0x0] =	wrdreg $0xFFFFFFFF;
	(pc) =	sbr.abs _section_cstart, $3  }
0xc0: {  	[dreg:$0x1] =	wrdreg $0xFFFFFFFF  }
0xc1: {  	_ =	task.clear_ibuf [dreg:s7], $0x2FFFF;
	_ =	strace $0x9FFFFFFF  }
0xc2: {  	(tm) =	ssettm $0x7FFFFFFF  }
0xc3: {  	_ =	shalt  }
tec
execute0_lowered:
.L_overlay_start_1:
0x0: {  	(tag) =	ssettag $0x1  }
0x1: {  	s1 =	srdreg.scid  }
0x2: {  	s0 =	stileid.u32;
	s3 =	rddreg [dreg:$0x0]  }
0x3: {  	s6 =	rddreg [dreg:$0x1];
	s18 =	simm.s32 $0x880;
	s19 =	simm.s32 $0x1080  }
0x4: {  	s20 =	simm.s32 $0x1880;
	s22 =	simm.s32 $0x2080;
	s23 =	simm.s32 $0x2880  }
0x5: {  	s7 =	simm.s32 $0x3080;
	s24 =	simm.s32 $0x3880;
	s8 =	simm.s32 $0x4080  }
0x6: {  	s25 =	simm.s32 $0x4880;
	s26 =	simm.s32 $0x5080;
	s1 =	sand.u32 $0x1, s1  }
0x7: {  	s9 =	simm.s32 $0x80;
	s2 =	sshll.u32 s0, $0x7;
	s4 =	sshll.u32 s1, $0x6  }
0x8: {  	s11 =	simm.s32 $0x6080;
	s4 =	sor.u32 s4, s2;
	s2 =	simm.s32 $0x0  }
0x9: {  	s12 =	simm.s32 $0x6880;
	s13 =	simm.s32 $0x7080;
	[smem:$0x7FF] =	sst s2  }
0xa: {  	s14 =	simm.s32 $0x7880;
	_ =	strace $0x80000047;
	[dreg:$0x5] =	wrdreg s18  }
0xb: {  	s15 =	simm.s32 $0x8080;
	s16 =	simm.s32 $0x8880;
	[dreg:$0x6] =	wrdreg s19  }
0xc: {  	s17 =	simm.s32 $0x9080;
	s28 =	simm.s32 $0xE080;
	[dreg:$0x7] =	wrdreg s20  }
0xd: {  	s29 =	simm.s32 $0xE880;
	s30 =	simm.s32 $0xF080;
	[dreg:$0x8] =	wrdreg s22  }
0xe: {  	s31 =	simm.s32 $0xF880;
	s1 =	ssub.s32 $0x2, s1;
	[dreg:$0x9] =	wrdreg s23  }
0xf: {  	s21 =	sshrl.u32 s1, $0x1;
	s5 =	sshrl.u32 s4, $0x3;
	[dreg:$0xa] =	wrdreg s7  }
0x10: {  	s4 =	sshll.u32 s4, $0x7;
	s1 =	ssub.s32 s1, s21;
	[dreg:$0xb] =	wrdreg s24  }
0x11: {  	s21 =	simm.s32 $0xB080;
	s5 =	sadd.s32 s5, s6;
	[dreg:$0xc] =	wrdreg s8  }
0x12: {  	s3 =	sadd.s32 s3, s4;
	s4 =	sadd.s32 $0x1B00, s6;
	[dreg:$0xd] =	wrdreg s25  }
0x13: {  	s7 =	smax.u32 s1, $0x1;
	s8 =	simm.s32 $0x2;
	[dreg:$0xe] =	wrdreg s26  }
0x14: {  	s18 =	simm.s32 $0x9880;
	s19 =	simm.s32 $0xA080;
	s20 =	simm.s32 $0xA880  }
0x15: {  	s22 =	simm.s32 $0xB880;
	s23 =	simm.s32 $0xC080;
	s24 =	simm.s32 $0xC880  }
0x16: {  	v2 =	vlaneseq.u32;
	s25 =	simm.s32 $0xD080;
	s26 =	simm.s32 $0xD880;
	s1 =	simm.s32 $0x1  }
0x17: {  	vm0 =	vmmov $0xffff;
	v1 =	vshrl.u32 v2, $0x3;
	s5 =	sadd.s32 $0x1800, s5;
	[dreg:$0x4] =	wrdreg s3;
	s3 =	sadd.s32 $0x1A00, s6  }
0x18: {  	v0 =	vand.u32 $0x7, v2;
	v2 =	vor.u32 $0x8, v2;
	v1 =	vmul.u32 $0x8, v1;
	[dreg:$0x3] =	wrdreg s5;
	s5 =	sadd.s32 $0x1C00, s6;
	s6 =	sadd.s32 $0x1D00, s6  }
.LBB2_1:
0x19: {  	s0 =	rddreg [dreg:$0x3]  }
0x1a: {  	[tilespmem:s2], [sflag:$0x2] =	stream.linear.gather [hbm4b:s0+s2], $0x40, $0x38;
	[tilespmem:$0x10080] =	vst v63  }
0x1b: {  	_ =	swait.ge [sflag:s8], $0x40  }
0x1c: {  	[sflag:s8] =	ssyncset.done $0x0  }
0x1d: {  	s10 =	rddreg [dreg:$0x4];
	[sflag:s8] =	ssyncadd.s32 $0xFFFFFFC0  }
0x1e: {  	[tilespmem:s9], [sflag:$0x2] =	stream.linear.gather [hbm4b:s10+s2], $0x10000, $0x38;
	[tilespmem:$0x10080] =	vst v63  }
0x1f: {  	_ =	swait.ge [sflag:s8], $0x10000  }
0x20: {  	[sflag:s8] =	ssyncset.done $0x0  }
0x21: {  	[sflag:s8] =	ssyncadd.s32 $0xFFFF0000  }
0x22: {  	v3 =	vld [tilespmem:$0x0];
	_ =	sdelay $0x4  }
0x23: {  	v4 =	vshll.u32 v3, $0x3  }
0x24: {  	v3 =	vand.u32 $0x7, v3;
	v4 =	vand.u32 $0xFFFFFFC0, v4  }
0x25: {  	v3 =	vor.u32 v3, v4  }
0x26: {  	v4 =	vperm.xlane v3, v0;
	_ =	sdelay $0x1  }
0x27: {  	v4 =	vadd.s32 v1, v4;
	_ =	sdelay $0x4  }
0x28: {  	[hbm4b:s3+s2] =	stream.indirect_vreg.scatter [tilespmem:s9], [sflag:$0x1], $0x80, v4, vm0, $0xb8;
	[tilespmem:$0x10080] =	vst v63  }
0x29: {  	s0 =	rddreg [dreg:$0x5];
	v3 =	vperm.xlane v3, v2  }
0x2a: {  	[hbm4b:s4+s2] =	stream.indirect_vreg.scatter [tilespmem:s0], [sflag:$0x1], $0x80, v4, vm0, $0xb8;
	[tilespmem:$0x10080] =	vst v63  }
0x2b: {  	s10 =	rddreg [dreg:$0x6];
	v3 =	vadd.s32 v1, v3  }
0x2c: {  	[hbm4b:s5+s2] =	stream.indirect_vreg.scatter [tilespmem:s10], [sflag:$0x1], $0x80, v4, vm0, $0xb8;
	[tilespmem:$0x10080] =	vst v63  }
0x2d: {  	s0 =	rddreg [dreg:$0x7]  }
0x2e: {  	[hbm4b:s6+s2] =	stream.indirect_vreg.scatter [tilespmem:s0], [sflag:$0x1], $0x80, v4, vm0, $0xb8;
	[tilespmem:$0x10080] =	vst v63  }
0x2f: {  	s10 =	rddreg [dreg:$0x8]  }
0x30: {  	[hbm4b:s3+s2] =	stream.indirect_vreg.scatter [tilespmem:s10], [sflag:$0x1], $0x80, v3, vm0, $0xb8;
	[tilespmem:$0x10080] =	vst v63  }
0x31: {  	s0 =	rddreg [dreg:$0x9]  }
0x32: {  	[hbm4b:s4+s2] =	stream.indirect_vreg.scatter [tilespmem:s0], [sflag:$0x1], $0x80, v3, vm0, $0xb8;
	[tilespmem:$0x10080] =	vst v63  }
0x33: {  	s10 =	rddreg [dreg:$0xa]  }
0x34: {  	[hbm4b:s5+s2] =	stream.indirect_vreg.scatter [tilespmem:s10], [sflag:$0x1], $0x80, v3, vm0, $0xb8;
	[tilespmem:$0x10080] =	vst v63  }
0x35: {  	s0 =	rddreg [dreg:$0xb]  }
0x36: {  	[hbm4b:s6+s2] =	stream.indirect_vreg.scatter [tilespmem:s0], [sflag:$0x1], $0x80, v3, vm0, $0xb8;
	[tilespmem:$0x10080] =	vst v63  }
0x37: {  	v3 =	vld [tilespmem:$0x10];
	_ =	sdelay $0x4  }
0x38: {  	v61 =	vshll.u32 v3, $0x3  }
0x39: {  	v3 =	vand.u32 $0x7, v3;
	v4 =	vand.u32 $0xFFFFFFC0, v61  }
0x3a: {  	v3 =	vor.u32 v3, v4  }
0x3b: {  	v4 =	vperm.xlane v3, v0;
	_ =	sdelay $0x1  }
0x3c: {  	v4 =	vadd.s32 v1, v4;
	_ =	sdelay $0x3  }
0x3d: {  	s0 =	rddreg [dreg:$0xc]  }
0x3e: {  	[hbm4b:s3+s2] =	stream.indirect_vreg.scatter [tilespmem:s0], [sflag:$0x1], $0x80, v4, vm0, $0xb8;
	[tilespmem:$0x10080] =	vst v63  }
0x3f: {  	s10 =	rddreg [dreg:$0xd];
	v3 =	vperm.xlane v3, v2  }
0x40: {  	[hbm4b:s4+s2] =	stream.indirect_vreg.scatter [tilespmem:s10], [sflag:$0x1], $0x80, v4, vm0, $0xb8;
	[tilespmem:$0x10080] =	vst v63  }
0x41: {  	v3 =	vadd.s32 v1, v3;
	s0 =	rddreg [dreg:$0xe]  }
0x42: {  	[hbm4b:s5+s2] =	stream.indirect_vreg.scatter [tilespmem:s0], [sflag:$0x1], $0x80, v4, vm0, $0xb8;
	[tilespmem:$0x10080] =	vst v63  }
0x43: {  	s10 =	simm.s32 $0x5880  }
0x44: {  	[hbm4b:s6+s2] =	stream.indirect_vreg.scatter [tilespmem:s10], [sflag:$0x1], $0x80, v4, vm0, $0xb8;
	[tilespmem:$0x10080] =	vst v63  }
0x45: {  	_ = 	snop  }
0x46: {  	[hbm4b:s3+s2] =	stream.indirect_vreg.scatter [tilespmem:s11], [sflag:$0x1], $0x80, v3, vm0, $0xb8;
	[tilespmem:$0x10080] =	vst v63  }
0x47: {  	_ = 	snop  }
0x48: {  	[hbm4b:s4+s2] =	stream.indirect_vreg.scatter [tilespmem:s12], [sflag:$0x1], $0x80, v3, vm0, $0xb8;
	[tilespmem:$0x10080] =	vst v63  }
0x49: {  	_ = 	snop  }
0x4a: {  	[hbm4b:s5+s2] =	stream.indirect_vreg.scatter [tilespmem:s13], [sflag:$0x1], $0x80, v3, vm0, $0xb8;
	[tilespmem:$0x10080] =	vst v63  }
0x4b: {  	_ = 	snop  }
0x4c: {  	[hbm4b:s6+s2] =	stream.indirect_vreg.scatter [tilespmem:s14], [sflag:$0x1], $0x80, v3, vm0, $0xb8;
	[tilespmem:$0x10080] =	vst v63  }
0x4d: {  	v3 =	vld [tilespmem:$0x20];
	_ =	sdelay $0x4  }
0x4e: {  	v62 =	vshll.u32 v3, $0x3  }
0x4f: {  	v3 =	vand.u32 $0x7, v3;
	v4 =	vand.u32 $0xFFFFFFC0, v62  }
0x50: {  	v3 =	vor.u32 v3, v4  }
0x51: {  	v4 =	vperm.xlane v3, v0;
	_ =	sdelay $0x1  }
0x52: {  	v4 =	vadd.s32 v1, v4;
	_ =	sdelay $0x4  }
0x53: {  	[hbm4b:s3+s2] =	stream.indirect_vreg.scatter [tilespmem:s15], [sflag:$0x1], $0x80, v4, vm0, $0xb8;
	[tilespmem:$0x10080] =	vst v63  }
0x54: {  	v3 =	vperm.xlane v3, v2  }
0x55: {  	[hbm4b:s4+s2] =	stream.indirect_vreg.scatter [tilespmem:s16], [sflag:$0x1], $0x80, v4, vm0, $0xb8;
	[tilespmem:$0x10080] =	vst v63  }
0x56: {  	v3 =	vadd.s32 v1, v3  }
0x57: {  	[hbm4b:s5+s2] =	stream.indirect_vreg.scatter [tilespmem:s17], [sflag:$0x1], $0x80, v4, vm0, $0xb8;
	[tilespmem:$0x10080] =	vst v63  }
0x58: {  	_ = 	snop  }
0x59: {  	[hbm4b:s6+s2] =	stream.indirect_vreg.scatter [tilespmem:s18], [sflag:$0x1], $0x80, v4, vm0, $0xb8;
	[tilespmem:$0x10080] =	vst v63  }
0x5a: {  	_ = 	snop  }
0x5b: {  	[hbm4b:s3+s2] =	stream.indirect_vreg.scatter [tilespmem:s19], [sflag:$0x1], $0x80, v3, vm0, $0xb8;
	[tilespmem:$0x10080] =	vst v63  }
0x5c: {  	_ = 	snop  }
0x5d: {  	[hbm4b:s4+s2] =	stream.indirect_vreg.scatter [tilespmem:s20], [sflag:$0x1], $0x80, v3, vm0, $0xb8;
	[tilespmem:$0x10080] =	vst v63  }
0x5e: {  	_ = 	snop  }
0x5f: {  	[hbm4b:s5+s2] =	stream.indirect_vreg.scatter [tilespmem:s21], [sflag:$0x1], $0x80, v3, vm0, $0xb8;
	[tilespmem:$0x10080] =	vst v63  }
0x60: {  	_ = 	snop  }
0x61: {  	[hbm4b:s6+s2] =	stream.indirect_vreg.scatter [tilespmem:s22], [sflag:$0x1], $0x80, v3, vm0, $0xb8;
	[tilespmem:$0x10080] =	vst v63  }
0x62: {  	v3 =	vld [tilespmem:$0x30];
	_ =	sdelay $0x4  }
0x63: {  	v63 =	vshll.u32 v3, $0x3  }
0x64: {  	v3 =	vand.u32 $0x7, v3;
	v4 =	vand.u32 $0xFFFFFFC0, v63  }
0x65: {  	v3 =	vor.u32 v3, v4  }
0x66: {  	v4 =	vperm.xlane v3, v0;
	_ =	sdelay $0x1  }
0x67: {  	v4 =	vadd.s32 v1, v4;
	_ =	sdelay $0x4  }
0x68: {  	[hbm4b:s3+s2] =	stream.indirect_vreg.scatter [tilespmem:s23], [sflag:$0x1], $0x80, v4, vm0, $0xb8;
	[tilespmem:$0x10080] =	vst v63  }
0x69: {  	v3 =	vperm.xlane v3, v2  }
0x6a: {  	[hbm4b:s4+s2] =	stream.indirect_vreg.scatter [tilespmem:s24], [sflag:$0x1], $0x80, v4, vm0, $0xb8;
	[tilespmem:$0x10080] =	vst v63  }
0x6b: {  	v3 =	vadd.s32 v1, v3  }
0x6c: {  	[hbm4b:s5+s2] =	stream.indirect_vreg.scatter [tilespmem:s25], [sflag:$0x1], $0x80, v4, vm0, $0xb8;
	[tilespmem:$0x10080] =	vst v63  }
0x6d: {  	_ = 	snop  }
0x6e: {  	[hbm4b:s6+s2] =	stream.indirect_vreg.scatter [tilespmem:s26], [sflag:$0x1], $0x80, v4, vm0, $0xb8;
	[tilespmem:$0x10080] =	vst v63  }
0x6f: {  	_ = 	snop  }
0x70: {  	[hbm4b:s3+s2] =	stream.indirect_vreg.scatter [tilespmem:s28], [sflag:$0x1], $0x80, v3, vm0, $0xb8;
	[tilespmem:$0x10080] =	vst v63  }
0x71: {  	_ = 	snop  }
0x72: {  	[hbm4b:s4+s2] =	stream.indirect_vreg.scatter [tilespmem:s29], [sflag:$0x1], $0x80, v3, vm0, $0xb8;
	[tilespmem:$0x10080] =	vst v63  }
0x73: {  	p0 =	sne.s32 s7, $0x1  }
0x74: {  	[hbm4b:s5+s2] =	stream.indirect_vreg.scatter [tilespmem:s30], [sflag:$0x1], $0x80, v3, vm0, $0xb8;
	[tilespmem:$0x10080] =	vst v63  }
.Ltmp0:
0x75: {  	_ = 	snop;
	(pc) =	sbr.rel @p0 .LBB2_1-.Ltmp0, $4  }
0x76: {  	[hbm4b:s6+s2] =	stream.indirect_vreg.scatter [tilespmem:s31], [sflag:$0x1], $0x80, v3, vm0, $0xb8;
	[tilespmem:$0x10080] =	vst v63  }
0x77: {  	_ =	swait.ge [sflag:s1], $0x10000  }
0x78: {  	[sflag:s1] =	ssyncset.done $0x0  }
0x79: {  	s7 =	sadd.s32 $0xFFFFFFFF, s7;
	[sflag:s1] =	ssyncadd.s32 $0xFFFF0000  }
0x7a: {  	_ =	sfence.sel $0x180000  }
0x7b: {  	[bflag:$0x0] =	sbarrier.arrive $0xFFFF  }
0x7c: {  	_ =	strace $0x90000047  }
0x7d: {  	s0 =	stileid.u32;
	[bflag:$0x2] =	sbarrier.arrive $0xFFFF  }
0x7e: {  	p0 =	sne.s32 s0, $0x0;
	s0 =	rddreg [dreg:$0x2]  }
0x7f: {  	s0 =	sadd.s32 @!p0 $0x100000, s0  }
0x80: {  	[sflag:s0] =	ssyncadd.tile.s32 @!p0 $0x1;
	_ =	shalt  }
.Lfunc_end2:
_tile_overlayer_lowered:
.L_overlay_start_2:
0x81: {  	(tag) =	ssettag $0x2  }
0x82: {  	s0 =	rddreg [dreg:$0x0];
	s2 =	stileid.u32  }
0x83: {  	s1 =	rddreg [dreg:$0x1];
	p0 =	sne.s32 s2, $0x0  }
0x84: {  	s3 =	rddreg [dreg:$0x2];
	[bflag:$0x3] =	sbarrier.arrive $0xFFFF;
	s2 =	simm.s32 @!p0 $0x1C02  }
0x85: {  	[timem:s3], [sflag:s2] =	dma.local @!p0 [hbm:s0], s1  }
0x86: {  	s0 =	simm.s32 @!p0 $0x2  }
0x87: {  	_ =	swait.ge @!p0 [sflag:s0], s1  }
0x88: {  	s1 =	ssub.s32 @!p0 $0x0, s1;
	[sflag:s0] =	ssyncset.done @!p0 $0x0  }
0x89: {  	[sflag:s0] =	ssyncadd.s32 @!p0 s1  }
0x8a: {  	[bflag:$0x3] =	sbarrier.arrive $0xFFFF  }
0x8b: {  	_ =	shalt  }

// kernel: kernel.9.cloned.1.call-start
scs
__scs_entry_jumppad:
0x0: {  	(pc) =	sbr.rel $0x88, $3  }
0x1: {  	(tag) =	ssettag $0x0;
	lr =	simm.s32 $0x1  }
0x2: {  	[smem:$0x3F9A] =	sst lr;
	_ =	strace $0xD0000000  }
0x3: {  	_ = 	snop  }
0x4: {  	_ = 	snop  }
0x5: {  	_ = 	snop  }
0x6: {  	_ = 	snop  }
0x7: {  	_ = 	snop  }
__scs_overlays_trampoline_lowered:
0x8: {  	[smem:$0x3FA9] =	sst s0  }
0x9: {  	[smem:$0x3FAA] =	sst s1  }
0xa: {  	[smem:$0x3FAB] =	sst s2  }
0xb: {  	[smem:$0x3FAC] =	sst s3  }
0xc: {  	[smem:$0x3FAD] =	sst s4  }
0xd: {  	[smem:$0x3FAE] =	sst s5  }
0xe: {  	[smem:$0x3FAF] =	sst s6  }
0xf: {  	[smem:$0x3FB0] =	sst s7  }
0x10: {  	[smem:$0x3FB1] =	sst s8  }
0x11: {  	[smem:$0x3FB2] =	sst s9;
	s0 =	simm.s32 @!p0 $0x0  }
0x12: {  	s1 =	sld [smem:$0x3F98];
	s0 =	simm.s32 @p0 $0x1  }
0x13: {  	[smem:$0x3FB3] =	sst s0;
	s0 =	simm.s32 @!p1 $0x0  }
0x14: {  	s2 =	sld [smem:$0x3F97];
	s0 =	simm.s32 @p1 $0x1  }
0x15: {  	[smem:$0x3FB4] =	sst s0;
	s0 =	simm.s32 @!p2 $0x0  }
0x16: {  	s3 =	sld [smem:$0x3FDB];
	s0 =	simm.s32 @p2 $0x1  }
0x17: {  	s4 =	simm.s32 $0x1BF5;
	[smem:$0x3FB6] =	sst s0  }
0x18: {  	s0 =	sld [smem:$0x3F99];
	_ =	swait.ge [sflag:s4], $0x0  }
0x19: {  	s7 =	sld [smem:$0x3F9A]  }
0x1a: {  	s8 =	sadd.s32 $0xFFFFE003, lr  }
0x1b: {  	s9 =	sadd.s32 $0xFFFFFEF7, lr;
	s5 =	simm.s32 $0xFFFFFFFF;
	p2 =	slt.u32 s8, $0xFFFFF086  }
0x1c: {  	p1 =	slt.u32 s9, $0xF7A;
	s5 =	simm.s32 @!p2 $0x0  }
0x1d: {  	s5 =	simm.s32 @p1 $0x1;
	p0 =	seq.s32 s7, s2  }
0x1e: {  	s7 =	smul.u32 @!p0 $0xF7A, s2;
	p2 =	seq.s32 @!p0 s5, $0x0  }
0x1f: {  	s9 =	smul.u32 $0xF7A, s1;
	s8 =	simm.s32 @!p0 $0x1BF5;
	p2 =	por !p2, p0  }
0x20: {  	[sflag:s8] =	ssyncset.s32 @!p0 $0xFFFFF086;
	s6 =	sadd.s32 @!p0 s3, s7;
	s7 =	simm.s32 @!p0 $0x108  }
0x21: {  	s3 =	sadd.s32 s3, s9;
	s6 =	sadd.s32 @!p0 $0x88, s6;
	s7 =	simm.s32 @p2 $0x1082  }
0x22: {  	[simem:s7], [sflag:s8] =	dma.local @!p0 [hbm:s6], $0xF7A  }
0x23: {  	s9 =	sor.u32 $0xD0000000, s2;
	s6 =	simm.s32 $0x108;
	_ =	swait.ge @!p0 [sflag:s8], $0x0  }
0x24: {  	s3 =	sadd.s32 $0x88, s3;
	s6 =	simm.s32 @!p1 $0x1082;
	[sflag:s4] =	ssyncset.s32 $0xFFFFF086  }
0x25: {  	[simem:s6], [sflag:s4] =	dma.local [hbm:s3], $0xF7A  }
0x26: {  	[smem:$0x3F9A] =	sst s1;
	(tag) =	ssettag s2;
	_ =	strace s9  }
0x27: {  	s1 =	sld [smem:$0x3FAA]  }
0x28: {  	s2 =	sld [smem:$0x3FAB]  }
0x29: {  	s4 =	sld [smem:$0x3FAD]  }
0x2a: {  	p0 =	seq.s32 s5, $0x0;
	s5 =	sld [smem:$0x3FAE]  }
0x2b: {  	s6 =	sld [smem:$0x3FAF]  }
0x2c: {  	s7 =	sld [smem:$0x3FB0]  }
0x2d: {  	s3 =	simm.s32 $0x108;
	s8 =	sld [smem:$0x3FB1]  }
0x2e: {  	s3 =	simm.s32 @!p0 $0x1082;
	s9 =	sld [smem:$0x3FB2]  }
0x2f: {  	lr =	sadd.s32 s0, s3;
	s0 =	sld [smem:$0x3FA9]  }
0x30: {  	s3 =	sld [smem:$0x3FAC]  }
0x31: {  	[smem:$0x3FB5] =	sst s10  }
0x32: {  	s10 =	sld [smem:$0x3FB3];
	_ =	sdelay $0x3  }
0x33: {  	p0 =	seq.s32 s10, $0x1;
	s10 =	sld [smem:$0x3FB5];
	_ =	sdelay $0x3  }
0x34: {  	[smem:$0x3FB5] =	sst s10  }
0x35: {  	s10 =	sld [smem:$0x3FB4];
	_ =	sdelay $0x3  }
0x36: {  	p1 =	seq.s32 s10, $0x1;
	s10 =	sld [smem:$0x3FB5];
	_ =	sdelay $0x3  }
0x37: {  	[smem:$0x3FB5] =	sst s10  }
0x38: {  	s10 =	sld [smem:$0x3FB6]  }
0x39: {  	_ = 	snop;
	(pc) =	sbr.ind lr, $3  }
0x3a: {  	_ = 	snop  }
0x3b: {  	_ = 	snop  }
0x3c: {  	p2 =	seq.s32 s10, $0x1;
	s10 =	sld [smem:$0x3FB5]  }
0x3d: {  	_ =	shalt  }
0x3e: {  	_ =	shalt  }
0x3f: {  	_ =	shalt  }
0x40: {  	_ =	shalt  }
0x41: {  	_ =	shalt  }
0x42: {  	_ =	shalt  }
0x43: {  	_ =	shalt  }
0x44: {  	_ =	shalt  }
0x45: {  	_ =	shalt  }
0x46: {  	_ =	shalt  }
0x47: {  	_ =	shalt  }
0x48: {  	_ =	shalt  }
0x49: {  	_ =	shalt  }
0x4a: {  	_ =	shalt  }
0x4b: {  	_ =	shalt  }
0x4c: {  	_ =	shalt  }
0x4d: {  	_ =	shalt  }
0x4e: {  	_ =	shalt  }
0x4f: {  	_ =	shalt  }
0x50: {  	_ =	shalt  }
0x51: {  	_ =	shalt  }
0x52: {  	_ =	shalt  }
0x53: {  	_ =	shalt  }
0x54: {  	_ =	shalt  }
0x55: {  	_ =	shalt  }
0x56: {  	_ =	shalt  }
0x57: {  	_ =	shalt  }
0x58: {  	_ =	shalt  }
0x59: {  	_ =	shalt  }
0x5a: {  	_ =	shalt  }
0x5b: {  	_ =	shalt  }
0x5c: {  	_ =	shalt  }
0x5d: {  	_ =	shalt  }
0x5e: {  	_ =	shalt  }
0x5f: {  	_ =	shalt  }
0x60: {  	_ =	shalt  }
0x61: {  	_ =	shalt  }
0x62: {  	_ =	shalt  }
0x63: {  	_ =	shalt  }
0x64: {  	_ =	shalt  }
0x65: {  	_ =	shalt  }
0x66: {  	_ =	shalt  }
0x67: {  	_ =	shalt  }
0x68: {  	_ =	shalt  }
0x69: {  	_ =	shalt  }
0x6a: {  	_ =	shalt  }
0x6b: {  	_ =	shalt  }
0x6c: {  	_ =	shalt  }
0x6d: {  	_ =	shalt  }
0x6e: {  	_ =	shalt  }
0x6f: {  	_ =	shalt  }
0x70: {  	_ =	shalt  }
0x71: {  	_ =	shalt  }
0x72: {  	_ =	shalt  }
0x73: {  	_ =	shalt  }
0x74: {  	_ =	shalt  }
0x75: {  	_ =	shalt  }
0x76: {  	_ =	shalt  }
0x77: {  	_ =	shalt  }
0x78: {  	_ =	shalt  }
0x79: {  	_ =	shalt  }
0x7a: {  	_ =	shalt  }
0x7b: {  	_ =	shalt  }
0x7c: {  	_ =	shalt  }
0x7d: {  	_ =	shalt  }
0x7e: {  	_ =	shalt  }
0x7f: {  	_ =	shalt  }
0x80: {  	_ =	shalt  }
0x81: {  	_ =	shalt  }
0x82: {  	_ =	shalt  }
0x83: {  	_ =	shalt  }
0x84: {  	_ =	shalt  }
0x85: {  	_ =	shalt  }
0x86: {  	_ =	shalt  }
0x87: {  	_ =	shalt  }
.Lfunc_end0:
.L_simem_size_0:
called_computation.1_lowered:
.L_overlay_start_0:
0x88: {  	s2 =	sld [smem:$0x3FD9]  }
0x89: {  	s3 =	sld [smem:$0x3FFE];
	_ =	sdelay $0x1  }
0x8a: {  	s1 =	srdreg.scid  }
0x8b: {  	s0 =	sand.u32 $0x1, s1  }
0x8c: {  	s14 =	sshll.u32 s0, $0xA;
	s2 =	sadd.s32 s3, s2  }
0x8d: {  	s2 =	sadd.s32 s2, s14  }
0x8e: {  	[smem:$0x3FC1] =	sst s2  }
0x8f: {  	_ = 	snop  }
0x90: {  	s2 =	sld [smem:$0x3FD0];
	_ =	sdelay $0x2  }
0x91: {  	s15 =	simm.s32 $0xA;
	s4 =	simm.s32 $0x10  }
0x92: {  	[smem:s4], [sflag:s15] =	dma.local [hbm:s2], $0x1  }
0x93: {  	_ =	swait.eq [sflag:s15], $0x1  }
0x94: {  	[sflag:s15] =	ssyncset.done $0x0  }
0x95: {  	[sflag:s15] =	ssyncadd.s32 $0xFFFFFFFF  }
0x96: {  	s16 =	sld [smem:$0x10];
	(tm) =	ssettm $0x1  }
0x97: {  	s17 =	sld [smem:$0x3FFB];
	_ =	sdelay $0x3  }
0x98: {  	_ =	strace s17  }
0x99: {  	s3 =	sld [smem:$0x3FFC];
	_ =	sdelay $0x3  }
0x9a: {  	_ =	strace s3  }
0x9b: {  	s3 =	sld [smem:$0x3FFD];
	_ =	sdelay $0x3  }
0x9c: {  	_ =	strace s3  }
0x9d: {  	_ =	strace $0x8FFFFFFF  }
0x9e: {  	s18 =	sld [smem:$0x3FDB];
	_ =	sdelay $0x1  }
0x9f: {  	s19 =	simm.s32 $_scs_section_size  }
0xa0: {  	s5 =	simm.s32 $_size__tile_overlayer_lowered;
	s6 =	simm.s32 $_tile_overlayer_lowered  }
0xa1: {  	s22 =	simm.s32 $0x1BFF;
	s21 =	sshll.u32 s6, $0x1;
	s3 =	sadd.s32 s19, s18  }
0xa2: {  	s7 =	simm.s32 $0x0;
	s20 =	sshll.u32 s5, $0x1;
	s5 =	sadd.s32 s21, s3  }
0xa3: {  	[timem:s7], [sflag:s22] =	dma.local [hbm:s5], s20  }
0xa4: {  	_ =	swait.ge [sflag:s22], s20  }
0xa5: {  	s4 =	ssub.s32 $0x0, s20;
	[sflag:s22] =	ssyncset.done $0x0  }
0xa6: {  	[sflag:s22] =	ssyncadd.s32 s4;
	_ =	sdelay $0x1  }
0xa7: {  	s23 =	simm.s32 $0x1B8B  }
0xa8: {  	_ =	swait.ge [sflag:s23], $0x1  }
0xa9: {  	[sflag:s23] =	ssyncset.done $0x0  }
0xaa: {  	s25 =	simm.s32 $0x1B8E;
	s24 =	sld [smem:$0x3FFE];
	[sflag:s23] =	ssyncadd.s32 $0xFFFFFFFF  }
0xab: {  	s26 =	simm.s32 $execute0_lowered;
	[smem:$0x3FD2] =	sst s25  }
0xac: {  	s5 =	sshll.u32 s26, $0x1;
	_ =	strace $0x80000049;
	[dreg:$0x1] =	wrdreg $0xFFFFFFFF  }
0xad: {  	s28 =	simm.s32 $_size_execute0_lowered;
	s3 =	sadd.s32 s3, s5;
	[dreg:$0x0] =	wrdreg $0x0  }
0xae: {  	s5 =	sshll.u32 s28, $0x1;
	[dreg:$0x2] =	wrdreg s3  }
0xaf: {  	[dreg:$0x3] =	wrdreg s5  }
0xb0: {  	[dreg:$0x4] =	wrdreg $0xC0  }
0xb1: {  	_ =	task [dreg:s7], $0x5FFFF  }
0xb2: {  	[dreg:$0x1] =	wrdreg $0xFFFFFFFF  }
0xb3: {  	[dreg:$0x0] =	wrdreg $0x60  }
0xb4: {  	[dreg:$0x2] =	wrdreg s24  }
0xb5: {  	[dreg:$0x3] =	wrdreg s16  }
0xb6: {  	[dreg:$0x4] =	wrdreg $0x9  }
0xb7: {  	_ =	task.clear_ibuf [dreg:s7], $0x5FFFF;
	_ =	strace $0x90000049  }
0xb8: {  	s29 =	simm.s32 $0x9;
	_ =	strace $0x8000004B  }
0xb9: {  	_ =	swait.ge [sflag:s29], $0x1  }
0xba: {  	[sflag:s29] =	ssyncadd.s32 $0xFFFFFFFF  }
0xbb: {  	_ =	strace $0x9000004B  }
0xbc: {  	_ =	sfence  }
0xbd: {  	s30 =	sld [smem:$0x0];
	_ =	sdelay $0x2  }
0xbe: {  	s31 =	sshll.u32 s1, $0xD;
	s1 =	sshrl.u32 s1, $0x2  }
0xbf: {  	s3 =	sand.u32 $0x4000, s31;
	s1 =	sadd.s32 s1, s30  }
0xc0: {  	s0 =	sor.u32 s3, s0;
	s1 =	sshll.u32 s1, $0x11  }
0xc1: {  	s0 =	sor.u32 s1, s0  }
0xc2: {  	s0 =	sadd.s32 $0x8F2B, s0  }
0xc3: {  	[sflag:s0] =	ssyncadd.remote.s32 $0x1  }
0xc4: {  	_ =	sfence.sel $0xFFFF  }
0xc5: {  	[dreg:$0x0] =	wrdreg $0xFFFFFFFF;
	(pc) =	sbr.abs _section_cstart, $3  }
0xc6: {  	[dreg:$0x1] =	wrdreg $0xFFFFFFFF  }
0xc7: {  	_ =	task.clear_ibuf [dreg:s7], $0x2FFFF;
	_ =	strace $0x9FFFFFFF  }
0xc8: {  	(tm) =	ssettm $0x7FFFFFFF  }
0xc9: {  	_ =	shalt  }
tec
execute0_lowered:
.L_overlay_start_1:
0x0: {  	(tag) =	ssettag $0x1  }
0x1: {  	s1 =	srdreg.scid  }
0x2: {  	s0 =	stileid.u32;
	s6 =	rddreg [dreg:$0x0]  }
0x3: {  	s4 =	rddreg [dreg:$0x1];
	s18 =	simm.s32 $0x880;
	s19 =	simm.s32 $0x1080  }
0x4: {  	s20 =	simm.s32 $0x1880;
	s22 =	simm.s32 $0x2080;
	s23 =	simm.s32 $0x2880  }
0x5: {  	s7 =	simm.s32 $0x3080;
	s24 =	simm.s32 $0x3880;
	s8 =	simm.s32 $0x4080  }
0x6: {  	s25 =	simm.s32 $0x4880;
	s26 =	simm.s32 $0x5080;
	s1 =	sand.u32 $0x1, s1  }
0x7: {  	s9 =	simm.s32 $0x80;
	s2 =	sshll.u32 s0, $0x7;
	s3 =	sshll.u32 s1, $0x6  }
0x8: {  	s11 =	simm.s32 $0x6080;
	s3 =	sor.u32 s3, s2;
	s2 =	simm.s32 $0x0  }
0x9: {  	s12 =	simm.s32 $0x6880;
	s13 =	simm.s32 $0x7080;
	[smem:$0x7FF] =	sst s2  }
0xa: {  	s14 =	simm.s32 $0x7880;
	_ =	strace $0x8000004A;
	[dreg:$0x5] =	wrdreg s18  }
0xb: {  	s15 =	simm.s32 $0x8080;
	s16 =	simm.s32 $0x8880;
	[dreg:$0x6] =	wrdreg s19  }
0xc: {  	s17 =	simm.s32 $0x9080;
	s28 =	simm.s32 $0xE080;
	[dreg:$0x7] =	wrdreg s20  }
0xd: {  	s29 =	simm.s32 $0xE880;
	s30 =	simm.s32 $0xF080;
	[dreg:$0x8] =	wrdreg s22  }
0xe: {  	s31 =	simm.s32 $0xF880;
	s1 =	ssub.s32 $0x2, s1;
	[dreg:$0x9] =	wrdreg s23  }
0xf: {  	s21 =	sshrl.u32 s1, $0x1;
	s5 =	sshrl.u32 s3, $0x3;
	[dreg:$0xa] =	wrdreg s7  }
0x10: {  	s3 =	sshll.u32 s3, $0x7;
	s1 =	ssub.s32 s1, s21;
	[dreg:$0xb] =	wrdreg s24  }
0x11: {  	s21 =	simm.s32 $0xB080;
	s5 =	sadd.s32 s5, s6;
	[dreg:$0xc] =	wrdreg s8  }
0x12: {  	s3 =	sadd.s32 s4, s3;
	s4 =	sadd.s32 $0x81B00, s6;
	[dreg:$0xd] =	wrdreg s25  }
0x13: {  	s7 =	smax.u32 s1, $0x1;
	s8 =	simm.s32 $0x2;
	[dreg:$0xe] =	wrdreg s26  }
0x14: {  	s18 =	simm.s32 $0x9880;
	s19 =	simm.s32 $0xA080;
	s20 =	simm.s32 $0xA880  }
0x15: {  	s22 =	simm.s32 $0xB880;
	s23 =	simm.s32 $0xC080;
	s24 =	simm.s32 $0xC880  }
0x16: {  	v2 =	vlaneseq.u32;
	s25 =	simm.s32 $0xD080;
	s26 =	simm.s32 $0xD880;
	s1 =	simm.s32 $0x1  }
0x17: {  	vm0 =	vmmov $0xffff;
	v1 =	vshrl.u32 v2, $0x3;
	s5 =	sadd.s32 $0x1800, s5;
	[dreg:$0x4] =	wrdreg s3;
	s3 =	sadd.s32 $0x81A00, s6  }
0x18: {  	v0 =	vand.u32 $0x7, v2;
	v2 =	vor.u32 $0x8, v2;
	v1 =	vmul.u32 $0x8, v1;
	[dreg:$0x3] =	wrdreg s5;
	s5 =	sadd.s32 $0x81C00, s6;
	s6 =	sadd.s32 $0x81D00, s6  }
.LBB2_1:
0x19: {  	s0 =	rddreg [dreg:$0x3]  }
0x1a: {  	[tilespmem:s2], [sflag:$0x2] =	stream.linear.gather [hbm4b:s0+s2], $0x40, $0x38;
	[tilespmem:$0x10080] =	vst v63  }
0x1b: {  	_ =	swait.ge [sflag:s8], $0x40  }
0x1c: {  	[sflag:s8] =	ssyncset.done $0x0  }
0x1d: {  	[sflag:s8] =	ssyncadd.s32 $0xFFFFFFC0  }
0x1e: {  	v3 =	vld [tilespmem:$0x0];
	_ =	sdelay $0x4  }
0x1f: {  	v4 =	vshll.u32 v3, $0x3  }
0x20: {  	v3 =	vand.u32 $0x7, v3;
	v4 =	vand.u32 $0xFFFFFFC0, v4  }
0x21: {  	v3 =	vor.u32 v3, v4  }
0x22: {  	v4 =	vperm.xlane v3, v0;
	_ =	sdelay $0x1  }
0x23: {  	v4 =	vadd.s32 v1, v4;
	_ =	sdelay $0x4  }
0x24: {  	[tilespmem:s9], [sflag:$0x1] =	stream.indirect_vreg.gather [hbm4b:s3+s2], $0x80, v4, vm0, $0xb8;
	[tilespmem:$0x10080] =	vst v63  }
0x25: {  	s0 =	rddreg [dreg:$0x5];
	v3 =	vperm.xlane v3, v2  }
0x26: {  	[tilespmem:s0], [sflag:$0x1] =	stream.indirect_vreg.gather [hbm4b:s4+s2], $0x80, v4, vm0, $0xb8;
	[tilespmem:$0x10080] =	vst v63  }
0x27: {  	s10 =	rddreg [dreg:$0x6];
	v3 =	vadd.s32 v1, v3  }
0x28: {  	[tilespmem:s10], [sflag:$0x1] =	stream.indirect_vreg.gather [hbm4b:s5+s2], $0x80, v4, vm0, $0xb8;
	[tilespmem:$0x10080] =	vst v63  }
0x29: {  	s0 =	rddreg [dreg:$0x7]  }
0x2a: {  	[tilespmem:s0], [sflag:$0x1] =	stream.indirect_vreg.gather [hbm4b:s6+s2], $0x80, v4, vm0, $0xb8;
	[tilespmem:$0x10080] =	vst v63  }
0x2b: {  	s10 =	rddreg [dreg:$0x8]  }
0x2c: {  	[tilespmem:s10], [sflag:$0x1] =	stream.indirect_vreg.gather [hbm4b:s3+s2], $0x80, v3, vm0, $0xb8;
	[tilespmem:$0x10080] =	vst v63  }
0x2d: {  	s0 =	rddreg [dreg:$0x9]  }
0x2e: {  	[tilespmem:s0], [sflag:$0x1] =	stream.indirect_vreg.gather [hbm4b:s4+s2], $0x80, v3, vm0, $0xb8;
	[tilespmem:$0x10080] =	vst v63  }
0x2f: {  	s10 =	rddreg [dreg:$0xa]  }
0x30: {  	[tilespmem:s10], [sflag:$0x1] =	stream.indirect_vreg.gather [hbm4b:s5+s2], $0x80, v3, vm0, $0xb8;
	[tilespmem:$0x10080] =	vst v63  }
0x31: {  	s0 =	rddreg [dreg:$0xb]  }
0x32: {  	[tilespmem:s0], [sflag:$0x1] =	stream.indirect_vreg.gather [hbm4b:s6+s2], $0x80, v3, vm0, $0xb8;
	[tilespmem:$0x10080] =	vst v63  }
0x33: {  	v3 =	vld [tilespmem:$0x10];
	_ =	sdelay $0x4  }
0x34: {  	v61 =	vshll.u32 v3, $0x3  }
0x35: {  	v3 =	vand.u32 $0x7, v3;
	v4 =	vand.u32 $0xFFFFFFC0, v61  }
0x36: {  	v3 =	vor.u32 v3, v4  }
0x37: {  	v4 =	vperm.xlane v3, v0;
	_ =	sdelay $0x1  }
0x38: {  	v4 =	vadd.s32 v1, v4;
	_ =	sdelay $0x3  }
0x39: {  	s0 =	rddreg [dreg:$0xc]  }
0x3a: {  	[tilespmem:s0], [sflag:$0x1] =	stream.indirect_vreg.gather [hbm4b:s3+s2], $0x80, v4, vm0, $0xb8;
	[tilespmem:$0x10080] =	vst v63  }
0x3b: {  	s10 =	rddreg [dreg:$0xd];
	v3 =	vperm.xlane v3, v2  }
0x3c: {  	[tilespmem:s10], [sflag:$0x1] =	stream.indirect_vreg.gather [hbm4b:s4+s2], $0x80, v4, vm0, $0xb8;
	[tilespmem:$0x10080] =	vst v63  }
0x3d: {  	v3 =	vadd.s32 v1, v3;
	s0 =	rddreg [dreg:$0xe]  }
0x3e: {  	[tilespmem:s0], [sflag:$0x1] =	stream.indirect_vreg.gather [hbm4b:s5+s2], $0x80, v4, vm0, $0xb8;
	[tilespmem:$0x10080] =	vst v63  }
0x3f: {  	s10 =	simm.s32 $0x5880  }
0x40: {  	[tilespmem:s10], [sflag:$0x1] =	stream.indirect_vreg.gather [hbm4b:s6+s2], $0x80, v4, vm0, $0xb8;
	[tilespmem:$0x10080] =	vst v63  }
0x41: {  	_ = 	snop  }
0x42: {  	[tilespmem:s11], [sflag:$0x1] =	stream.indirect_vreg.gather [hbm4b:s3+s2], $0x80, v3, vm0, $0xb8;
	[tilespmem:$0x10080] =	vst v63  }
0x43: {  	_ = 	snop  }
0x44: {  	[tilespmem:s12], [sflag:$0x1] =	stream.indirect_vreg.gather [hbm4b:s4+s2], $0x80, v3, vm0, $0xb8;
	[tilespmem:$0x10080] =	vst v63  }
0x45: {  	_ = 	snop  }
0x46: {  	[tilespmem:s13], [sflag:$0x1] =	stream.indirect_vreg.gather [hbm4b:s5+s2], $0x80, v3, vm0, $0xb8;
	[tilespmem:$0x10080] =	vst v63  }
0x47: {  	_ = 	snop  }
0x48: {  	[tilespmem:s14], [sflag:$0x1] =	stream.indirect_vreg.gather [hbm4b:s6+s2], $0x80, v3, vm0, $0xb8;
	[tilespmem:$0x10080] =	vst v63  }
0x49: {  	v3 =	vld [tilespmem:$0x20];
	_ =	sdelay $0x4  }
0x4a: {  	v62 =	vshll.u32 v3, $0x3  }
0x4b: {  	v3 =	vand.u32 $0x7, v3;
	v4 =	vand.u32 $0xFFFFFFC0, v62  }
0x4c: {  	v3 =	vor.u32 v3, v4  }
0x4d: {  	v4 =	vperm.xlane v3, v0;
	_ =	sdelay $0x1  }
0x4e: {  	v4 =	vadd.s32 v1, v4;
	_ =	sdelay $0x4  }
0x4f: {  	[tilespmem:s15], [sflag:$0x1] =	stream.indirect_vreg.gather [hbm4b:s3+s2], $0x80, v4, vm0, $0xb8;
	[tilespmem:$0x10080] =	vst v63  }
0x50: {  	v3 =	vperm.xlane v3, v2  }
0x51: {  	[tilespmem:s16], [sflag:$0x1] =	stream.indirect_vreg.gather [hbm4b:s4+s2], $0x80, v4, vm0, $0xb8;
	[tilespmem:$0x10080] =	vst v63  }
0x52: {  	v3 =	vadd.s32 v1, v3  }
0x53: {  	[tilespmem:s17], [sflag:$0x1] =	stream.indirect_vreg.gather [hbm4b:s5+s2], $0x80, v4, vm0, $0xb8;
	[tilespmem:$0x10080] =	vst v63  }
0x54: {  	_ = 	snop  }
0x55: {  	[tilespmem:s18], [sflag:$0x1] =	stream.indirect_vreg.gather [hbm4b:s6+s2], $0x80, v4, vm0, $0xb8;
	[tilespmem:$0x10080] =	vst v63  }
0x56: {  	_ = 	snop  }
0x57: {  	[tilespmem:s19], [sflag:$0x1] =	stream.indirect_vreg.gather [hbm4b:s3+s2], $0x80, v3, vm0, $0xb8;
	[tilespmem:$0x10080] =	vst v63  }
0x58: {  	_ = 	snop  }
0x59: {  	[tilespmem:s20], [sflag:$0x1] =	stream.indirect_vreg.gather [hbm4b:s4+s2], $0x80, v3, vm0, $0xb8;
	[tilespmem:$0x10080] =	vst v63  }
0x5a: {  	_ = 	snop  }
0x5b: {  	[tilespmem:s21], [sflag:$0x1] =	stream.indirect_vreg.gather [hbm4b:s5+s2], $0x80, v3, vm0, $0xb8;
	[tilespmem:$0x10080] =	vst v63  }
0x5c: {  	_ = 	snop  }
0x5d: {  	[tilespmem:s22], [sflag:$0x1] =	stream.indirect_vreg.gather [hbm4b:s6+s2], $0x80, v3, vm0, $0xb8;
	[tilespmem:$0x10080] =	vst v63  }
0x5e: {  	v3 =	vld [tilespmem:$0x30];
	_ =	sdelay $0x4  }
0x5f: {  	v63 =	vshll.u32 v3, $0x3  }
0x60: {  	v3 =	vand.u32 $0x7, v3;
	v4 =	vand.u32 $0xFFFFFFC0, v63  }
0x61: {  	v3 =	vor.u32 v3, v4  }
0x62: {  	v4 =	vperm.xlane v3, v0;
	_ =	sdelay $0x1  }
0x63: {  	v4 =	vadd.s32 v1, v4;
	_ =	sdelay $0x4  }
0x64: {  	[tilespmem:s23], [sflag:$0x1] =	stream.indirect_vreg.gather [hbm4b:s3+s2], $0x80, v4, vm0, $0xb8;
	[tilespmem:$0x10080] =	vst v63  }
0x65: {  	v3 =	vperm.xlane v3, v2  }
0x66: {  	[tilespmem:s24], [sflag:$0x1] =	stream.indirect_vreg.gather [hbm4b:s4+s2], $0x80, v4, vm0, $0xb8;
	[tilespmem:$0x10080] =	vst v63  }
0x67: {  	v3 =	vadd.s32 v1, v3  }
0x68: {  	[tilespmem:s25], [sflag:$0x1] =	stream.indirect_vreg.gather [hbm4b:s5+s2], $0x80, v4, vm0, $0xb8;
	[tilespmem:$0x10080] =	vst v63  }
0x69: {  	_ = 	snop  }
0x6a: {  	[tilespmem:s26], [sflag:$0x1] =	stream.indirect_vreg.gather [hbm4b:s6+s2], $0x80, v4, vm0, $0xb8;
	[tilespmem:$0x10080] =	vst v63  }
0x6b: {  	_ = 	snop  }
0x6c: {  	[tilespmem:s28], [sflag:$0x1] =	stream.indirect_vreg.gather [hbm4b:s3+s2], $0x80, v3, vm0, $0xb8;
	[tilespmem:$0x10080] =	vst v63  }
0x6d: {  	_ = 	snop  }
0x6e: {  	[tilespmem:s29], [sflag:$0x1] =	stream.indirect_vreg.gather [hbm4b:s4+s2], $0x80, v3, vm0, $0xb8;
	[tilespmem:$0x10080] =	vst v63  }
0x6f: {  	_ = 	snop  }
0x70: {  	[tilespmem:s30], [sflag:$0x1] =	stream.indirect_vreg.gather [hbm4b:s5+s2], $0x80, v3, vm0, $0xb8;
	[tilespmem:$0x10080] =	vst v63  }
0x71: {  	_ = 	snop  }
0x72: {  	[tilespmem:s31], [sflag:$0x1] =	stream.indirect_vreg.gather [hbm4b:s6+s2], $0x80, v3, vm0, $0xb8;
	[tilespmem:$0x10080] =	vst v63  }
0x73: {  	_ =	swait.ge [sflag:s1], $0x10000  }
0x74: {  	p0 =	sne.s32 s7, $0x1;
	[sflag:s1] =	ssyncset.done $0x0  }
.Ltmp0:
0x75: {  	s10 =	rddreg [dreg:$0x4];
	[sflag:s1] =	ssyncadd.s32 $0xFFFF0000;
	(pc) =	sbr.rel @p0 .LBB2_1-.Ltmp0, $4  }
0x76: {  	[hbm4b:s10+s2] =	stream.linear.scatter [tilespmem:s9], [sflag:$0x2], $0x10000, $0x38;
	[tilespmem:$0x10080] =	vst v63  }
0x77: {  	_ =	swait.ge [sflag:s8], $0x10000  }
0x78: {  	[sflag:s8] =	ssyncset.done $0x0  }
0x79: {  	s7 =	sadd.s32 $0xFFFFFFFF, s7;
	[sflag:s8] =	ssyncadd.s32 $0xFFFF0000  }
0x7a: {  	_ =	sfence.sel $0x180000  }
0x7b: {  	[bflag:$0x0] =	sbarrier.arrive $0xFFFF  }
0x7c: {  	_ =	strace $0x9000004A  }
0x7d: {  	s0 =	stileid.u32;
	[bflag:$0x2] =	sbarrier.arrive $0xFFFF  }
0x7e: {  	p0 =	sne.s32 s0, $0x0;
	s0 =	rddreg [dreg:$0x2]  }
0x7f: {  	s0 =	sadd.s32 @!p0 $0x100000, s0  }
0x80: {  	[sflag:s0] =	ssyncadd.tile.s32 @!p0 $0x1;
	_ =	shalt  }
.Lfunc_end2:
_tile_overlayer_lowered:
.L_overlay_start_2:
0x81: {  	(tag) =	ssettag $0x2  }
0x82: {  	s0 =	rddreg [dreg:$0x0];
	s2 =	stileid.u32  }
0x83: {  	s1 =	rddreg [dreg:$0x1];
	p0 =	sne.s32 s2, $0x0  }
0x84: {  	s3 =	rddreg [dreg:$0x2];
	[bflag:$0x3] =	sbarrier.arrive $0xFFFF;
	s2 =	simm.s32 @!p0 $0x1C02  }
0x85: {  	[timem:s3], [sflag:s2] =	dma.local @!p0 [hbm:s0], s1  }
0x86: {  	s0 =	simm.s32 @!p0 $0x2  }
0x87: {  	_ =	swait.ge @!p0 [sflag:s0], s1  }
0x88: {  	s1 =	ssub.s32 @!p0 $0x0, s1;
	[sflag:s0] =	ssyncset.done @!p0 $0x0  }
0x89: {  	[sflag:s0] =	ssyncadd.s32 @!p0 s1  }
0x8a: {  	[bflag:$0x3] =	sbarrier.arrive $0xFFFF  }
0x8b: {  	_ =	shalt  }

</sc_bundles>
